<compile_context>
chip_gen: v7x
topology: tpu7x:2x2x1
jax: 0.10.2.dev20260603
libtpu: 0.0.44.dev20260713+nightly
codegen_flags: <defaults>
</compile_context>

<pallas_src>
import functools

import jax
import jax.numpy as jnp
from jax import lax
from jax.experimental import pallas as pl
from jax.experimental.pallas import tpu as pltpu
from jax.experimental.pallas import tpu_sc as plsc

B = 8192
INPUT_DIM = 768
LATENT_DIM = 64
NUM_EMB = 8192

BT = 512
NB = B // BT
CHUNK = 2048
NCHUNK = NUM_EMB // CHUNK


def _dot(a, b, dims):
    return lax.dot_general(a, b, (dims, ((), ())),
                           preferred_element_type=jnp.float32)


def _n2_body(cb_ref, n2_ref, cbp_ref):
    cb = cb_ref[...]
    n2_ref[...] = jnp.sum(cb * cb, axis=1).reshape(1, NUM_EMB)
    cbp_ref[:, :LATENT_DIM] = cb
    cbp_ref[:, LATENT_DIM:] = jnp.zeros((NUM_EMB, GD - LATENT_DIM), jnp.float32)


def _enc_vq_body(x_ref, W1_ref, b1_ref, W2_ref, b2_ref, W3_ref, b3_ref,
                 cb_ref, n2_ref, z_ref, idx_ref):
    x = x_ref[...]
    h = jnp.maximum(_dot(x, W1_ref[...], ((1,), (0,))) + b1_ref[...], 0.0)
    h = jnp.maximum(_dot(h, W2_ref[...], ((1,), (0,))) + b2_ref[...], 0.0)
    z = _dot(h, W3_ref[...], ((1,), (0,))) + b3_ref[...]
    z_ref[...] = z

    zz = jnp.sum(z * z, axis=1, keepdims=True)
    z2 = z + z
    best = jnp.full((BT,), jnp.inf, dtype=jnp.float32)
    besti = jnp.zeros((BT,), dtype=jnp.int32)
    for j in range(NCHUNK):
        cb = cb_ref[j * CHUNK:(j + 1) * CHUNK, :]
        n2 = n2_ref[0:1, j * CHUNK:(j + 1) * CHUNK]
        d = zz - _dot(z2, cb, ((1,), (1,))) + n2
        lmin = jnp.min(d, axis=1)
        col = lax.broadcasted_iota(jnp.int32, (BT, CHUNK), 1)
        lidx = jnp.min(jnp.where(d == lmin[:, None], col, NUM_EMB), axis=1)
        upd = lmin < best
        best = jnp.where(upd, lmin, best)
        besti = jnp.where(upd, lidx + j * CHUNK, besti)
    idx_ref[0, 0, :] = besti


def _dec_body(z_ref, zq0_ref, zq1_ref, D1_ref, c1_ref, D2_ref, c2_ref,
              D3_ref, c3_ref, xr_ref, loss_ref):
    z = z_ref[...]
    in_first_half = pl.program_id(0) < (NB // 2)
    zq = jnp.where(in_first_half, zq0_ref[:, :LATENT_DIM],
                   zq1_ref[:, :LATENT_DIM])
    zst = z + (zq - z)
    h = jnp.maximum(_dot(zst, D1_ref[...], ((1,), (0,))) + c1_ref[...], 0.0)
    h = jnp.maximum(_dot(h, D2_ref[...], ((1,), (0,))) + c2_ref[...], 0.0)
    xr_ref[...] = jnp.tanh(_dot(h, D3_ref[...], ((1,), (0,))) + c3_ref[...])

    part = jnp.sum((zq - z) ** 2).reshape(1, 1)

    @pl.when(pl.program_id(0) == 0)
    def _init():
        loss_ref[...] = part

    @pl.when(pl.program_id(0) != 0)
    def _acc():
        loss_ref[...] += part


def _const_spec(shape):
    return pl.BlockSpec(shape, lambda i: (0,) * len(shape))


GD = 128


def _sc_gather(codebook_padded, idx):
    n = idx.shape[0]
    info = plsc.get_sparse_core_info()
    ns = info.num_subcores
    nw = info.num_cores * ns
    bpw = n // nw
    rows_per_tile = NUM_EMB // ns
    mesh = plsc.VectorSubcoreMesh(core_axis_name="c", subcore_axis_name="s")

    @functools.partial(
        pl.kernel, mesh=mesh,
        out_type=jax.ShapeDtypeStruct((n, GD), jnp.float32),
        scratch_types=[
            pltpu.VMEM((bpw,), jnp.int32),
            pltpu.VMEM((bpw, GD), jnp.float32),
            pltpu.VMEM_SHARED((NUM_EMB, GD), jnp.float32),
            pltpu.SemaphoreType.DMA,
        ],
    )
    def gather_k(table_hbm, idx_hbm, out_hbm, idx_v, rows_v, shared, sem):
        cid = lax.axis_index("c")
        sid = lax.axis_index("s")
        wid = sid * info.num_cores + cid
        sbase = sid * rows_per_tile
        pltpu.sync_copy(table_hbm.at[pl.ds(sbase, rows_per_tile)],
                        shared.at[pl.ds(sbase, rows_per_tile)])
        plsc.subcore_barrier()
        base = wid * bpw
        pltpu.sync_copy(idx_hbm.at[pl.ds(base, bpw)], idx_v)
        pltpu.async_copy(shared.at[idx_v], rows_v, sem).wait()
        pltpu.sync_copy(rows_v, out_hbm.at[pl.ds(base, bpw)])

    return gather_k(codebook_padded, idx)


def kernel(x, W1, b1, W2, b2, W3, b3, codebook, D1, c1, D2, c2, D3, c3):
    n2, cb_pad = pl.pallas_call(
        _n2_body,
        in_specs=[pl.BlockSpec((NUM_EMB, LATENT_DIM), lambda: (0, 0))],
        out_specs=[
            pl.BlockSpec((1, NUM_EMB), lambda: (0, 0)),
            pl.BlockSpec((NUM_EMB, GD), lambda: (0, 0)),
        ],
        out_shape=[
            jax.ShapeDtypeStruct((1, NUM_EMB), jnp.float32),
            jax.ShapeDtypeStruct((NUM_EMB, GD), jnp.float32),
        ],
    )(codebook)

    H = B // 2
    NBH = H // BT

    def stage_a(phase):
        off = phase * NBH
        return pl.pallas_call(
            _enc_vq_body,
            grid=(NBH,),
            in_specs=[
                pl.BlockSpec((BT, INPUT_DIM), lambda i: (i + off, 0)),
                _const_spec((INPUT_DIM, 512)),
                _const_spec((1, 512)),
                _const_spec((512, 256)),
                _const_spec((1, 256)),
                _const_spec((256, LATENT_DIM)),
                _const_spec((1, LATENT_DIM)),
                _const_spec((NUM_EMB, LATENT_DIM)),
                _const_spec((1, NUM_EMB)),
            ],
            out_specs=[
                pl.BlockSpec((BT, LATENT_DIM), lambda i: (i, 0)),
                pl.BlockSpec((1, 1, BT), lambda i: (i, 0, 0)),
            ],
            out_shape=[
                jax.ShapeDtypeStruct((H, LATENT_DIM), jnp.float32),
                jax.ShapeDtypeStruct((NBH, 1, BT), jnp.int32),
            ],
        )(x, W1, b1.reshape(1, -1), W2, b2.reshape(1, -1), W3,
          b3.reshape(1, -1), codebook, n2)

    z0, i0 = stage_a(0)
    idx0 = i0.reshape(H)
    zq0 = _sc_gather(cb_pad, idx0)
    z1, i1 = stage_a(1)
    idx1 = i1.reshape(H)
    zq1 = _sc_gather(cb_pad, idx1)

    z = jnp.concatenate([z0, z1], axis=0)
    idx = jnp.concatenate([idx0, idx1], axis=0)

    xr, loss = pl.pallas_call(
        _dec_body,
        grid=(NB,),
        in_specs=[
            pl.BlockSpec((BT, LATENT_DIM), lambda i: (i, 0)),
            pl.BlockSpec((BT, GD), lambda i: (jnp.minimum(i, NB // 2 - 1), 0)),
            pl.BlockSpec((BT, GD), lambda i: (jnp.maximum(i - NB // 2, 0), 0)),
            _const_spec((LATENT_DIM, 256)),
            _const_spec((1, 256)),
            _const_spec((256, 512)),
            _const_spec((1, 512)),
            _const_spec((512, INPUT_DIM)),
            _const_spec((1, INPUT_DIM)),
        ],
        out_specs=[
            pl.BlockSpec((BT, INPUT_DIM), lambda i: (i, 0)),
            _const_spec((1, 1)),
        ],
        out_shape=[
            jax.ShapeDtypeStruct((B, INPUT_DIM), jnp.float32),
            jax.ShapeDtypeStruct((1, 1), jnp.float32),
        ],
    )(z, zq0, zq1, D1, c1.reshape(1, -1), D2, c2.reshape(1, -1), D3,
      c3.reshape(1, -1))

    commitment_loss = 0.25 * (loss[0, 0] / (B * LATENT_DIM))
    return (xr, z, idx, commitment_loss)

# --- scband reference (transcript-rebuilt; emitter-appended) ---
"""Pipeline reference for scband-vqvae-60413009986017 (READ-ONLY COPY).

The authoritative reference and input builder live on the scoring server;
editing this copy changes nothing except your own understanding.
"""

import jax, jax.numpy as jnp
import numpy as np

B = 8192
INPUT_DIM = 768
LATENT_DIM = 64
NUM_EMB = 8192
EMB_DIM = 64


def _lin_init(k, fan_in, fan_out):
    lim = 1.0 / np.sqrt(fan_in)
    kw, kb = jax.random.split(k)
    W = jax.random.uniform(kw, (fan_in, fan_out), minval=-lim, maxval=lim, dtype=jnp.float32)
    b = jax.random.uniform(kb, (fan_out,), minval=-lim, maxval=lim, dtype=jnp.float32)
    return W, b


def setup_inputs(seed: int = 0):
    key = jax.random.key(seed)
    ks = jax.random.split(key, 8)
    x = jax.random.normal(ks[0], (B, INPUT_DIM), dtype=jnp.float32)
    W1, b1 = _lin_init(ks[1], INPUT_DIM, 512)
    W2, b2 = _lin_init(ks[2], 512, 256)
    W3, b3 = _lin_init(ks[3], 256, LATENT_DIM)
    codebook = jax.random.uniform(ks[4], (NUM_EMB, EMB_DIM), minval=-1.0 / NUM_EMB, maxval=1.0 / NUM_EMB, dtype=jnp.float32)
    D1, c1 = _lin_init(ks[5], EMB_DIM, 256)
    D2, c2 = _lin_init(ks[6], 256, 512)
    D3, c3 = _lin_init(ks[7], 512, INPUT_DIM)
    return {"x": x, "W1": W1, "b1": b1, "W2": W2, "b2": b2, "W3": W3, "b3": b3, "codebook": codebook, "D1": D1, "c1": c1, "D2": D2, "c2": c2, "D3": D3, "c3": c3}


def reference(x, W1, b1, W2, b2, W3, b3, codebook, D1, c1, D2, c2, D3, c3):
    # encoder
    z = jax.nn.relu(x @ W1 + b1)
    z = jax.nn.relu(z @ W2 + b2)
    z = z @ W3 + b3
    # nearest-codebook lookup: argmin_k sum((z - codebook_k)^2)
    # expanded form (same math): ||z||^2 - 2 z.W^T + ||W||^2
    d2 = jnp.sum(z * z, axis=1, keepdims=True) - 2.0 * (z @ codebook.T) + jnp.sum(codebook * codebook, axis=1)[None, :]
    encoding_indices = jnp.argmin(d2, axis=1)
    z_q = jnp.take(codebook, encoding_indices, axis=0)
    commitment_loss = 0.25 * jnp.mean((jax.lax.stop_gradient(z_q) - z) ** 2)
    # straight-through estimator
    z_q_st = z + jax.lax.stop_gradient(z_q - z)
    # decoder
    h = jax.nn.relu(z_q_st @ D1 + c1)
    h = jax.nn.relu(h @ D2 + c2)
    x_recon = jnp.tanh(h @ D3 + c3)
    return (x_recon, z, encoding_indices, commitment_loss)

if __name__ == "__main__":
    import jax
    _d = setup_inputs()
    print(jax.jit(kernel)(*tuple(_d.values())))

</pallas_src>

<mosaic_0001>
#map = affine_map<(d0, d1) -> (0, 0)>
#map1 = affine_map<(d0, d1) -> (0)>
module attributes {stable_mosaic.version = 14 : i64} {
  func.func @gather_k(%arg0: i32, %arg1: i32, %arg2: memref<8192x128xf32, #tpu.memory_space<hbm>>, %arg3: memref<4096xi32, #tpu.memory_space<hbm>>, %arg4: memref<4096x128xf32, #tpu.memory_space<hbm>>, %arg5: memref<128xi32, #tpu.memory_space<vmem>>, %arg6: memref<128x128xf32, #tpu.memory_space<vmem>>, %arg7: memref<8192x128xf32, #tpu.memory_space<vmem_shared>>, %arg8: memref<!tpu.dma_semaphore, #tpu.memory_space<semaphore_mem>>) attributes {dimension_semantics = [#tpu.dimension_semantics<core_parallel>, #tpu.dimension_semantics<subcore_parallel>], iteration_bounds = array<i64: 2, 16>, scalar_prefetch = 0 : i64, scratch_operands = 4 : i64, tpu.core_type = #tpu.core_type<sc_vector_subcore>, window_params = [{transform_indices = #map}, {transform_indices = #map1}, {transform_indices = #map}]} {
    %mul3A = arith.constant 2 : i32
    %mul3A_0 = arith.muli %arg1, %mul3A : i32
    %add3A = arith.addi %mul3A_0, %arg0 : i32
    %mul3A_1 = arith.constant 512 : i32
    %mul3A_2 = arith.muli %arg1, %mul3A_1 : i32
    "tpu.region"() ({
      %run_scoped3A = tpu.sem_alloc : memref<!tpu.dma_semaphore, #tpu.memory_space<semaphore_mem>>
      %dma_start3A_9 = arith.constant 0 : i32
      %dma_start3A_10 = tpu.memref_slice %arg7[%mul3A_2, %dma_start3A_9] : memref<8192x128xf32, #tpu.memory_space<vmem_shared>> -> memref<512x128xf32, #tpu.memory_space<vmem_shared>>
      %dma_start3A_11 = arith.constant 0 : i32
      %dma_start3A_12 = tpu.memref_slice %arg2[%mul3A_2, %dma_start3A_11] : memref<8192x128xf32, #tpu.memory_space<hbm>> -> memref<512x128xf32, #tpu.memory_space<hbm>>
      tpu.enqueue_dma source(%dma_start3A_12 : memref<512x128xf32, #tpu.memory_space<hbm>>) target(%dma_start3A_10 : memref<512x128xf32, #tpu.memory_space<vmem_shared>>) target_semaphore(%run_scoped3A : memref<!tpu.dma_semaphore, #tpu.memory_space<semaphore_mem>>)
      %dma_wait3A_13 = arith.constant 0 : i32
      %dma_wait3A_14 = tpu.memref_slice %arg7[%mul3A_2, %dma_wait3A_13] : memref<8192x128xf32, #tpu.memory_space<vmem_shared>> -> memref<512x128xf32, #tpu.memory_space<vmem_shared>>
      %dma_wait3A_15 = arith.constant 0 : i32
      %dma_wait3A_16 = tpu.memref_slice %arg2[%mul3A_2, %dma_wait3A_15] : memref<8192x128xf32, #tpu.memory_space<hbm>> -> memref<512x128xf32, #tpu.memory_space<hbm>>
      tpu.wait_dma2 semaphore(%run_scoped3A : memref<!tpu.dma_semaphore, #tpu.memory_space<semaphore_mem>>) src(%dma_wait3A_16 : memref<512x128xf32, #tpu.memory_space<hbm>>) dst(%dma_wait3A_14 : memref<512x128xf32, #tpu.memory_space<vmem_shared>>)
      tpu.yield
    }) : () -> ()
    %barrier3A = arith.constant 0 : index
    tpu.barrier barrier_id(%barrier3A)
    %mul3A_3 = arith.constant 128 : i32
    %mul3A_4 = arith.muli %add3A, %mul3A_3 : i32
    "tpu.region"() ({
      %run_scoped3A = tpu.sem_alloc : memref<!tpu.dma_semaphore, #tpu.memory_space<semaphore_mem>>
      %dma_start3A_9 = tpu.memref_slice %arg3[%mul3A_4] : memref<4096xi32, #tpu.memory_space<hbm>> -> memref<128xi32, #tpu.memory_space<hbm>>
      %dma_start3A_10 = tpu.memref_slice %arg3[%mul3A_4] : memref<4096xi32, #tpu.memory_space<hbm>> -> memref<128xi32, #tpu.memory_space<hbm>>
      tpu.enqueue_dma source(%dma_start3A_10 : memref<128xi32, #tpu.memory_space<hbm>>) target(%arg5 : memref<128xi32, #tpu.memory_space<vmem>>) target_semaphore(%run_scoped3A : memref<!tpu.dma_semaphore, #tpu.memory_space<semaphore_mem>>)
      %dma_wait3A_11 = tpu.memref_slice %arg3[%mul3A_4] : memref<4096xi32, #tpu.memory_space<hbm>> -> memref<128xi32, #tpu.memory_space<hbm>>
      %dma_wait3A_12 = tpu.memref_slice %arg3[%mul3A_4] : memref<4096xi32, #tpu.memory_space<hbm>> -> memref<128xi32, #tpu.memory_space<hbm>>
      tpu.wait_dma2 semaphore(%run_scoped3A : memref<!tpu.dma_semaphore, #tpu.memory_space<semaphore_mem>>) src(%dma_wait3A_12 : memref<128xi32, #tpu.memory_space<hbm>>) dst(%arg5 : memref<128xi32, #tpu.memory_space<vmem>>)
      tpu.yield
    }) : () -> ()
    %dma_start3A = arith.constant 0 : i32
    %dma_start3A_5 = arith.constant 0 : i32
    %dma_start3A_6 = tpu.memref_slice %arg7[%dma_start3A, %dma_start3A_5] : memref<8192x128xf32, #tpu.memory_space<vmem_shared>> -> memref<8192x128xf32, #tpu.memory_space<vmem_shared>>
    tpu.enqueue_indirect_dma source(%dma_start3A_6 : memref<8192x128xf32, #tpu.memory_space<vmem_shared>>) target(%arg6 : memref<128x128xf32, #tpu.memory_space<vmem>>) offsets(%arg5 : memref<128xi32, #tpu.memory_space<vmem>>) semaphore(%arg8 : memref<!tpu.dma_semaphore, #tpu.memory_space<semaphore_mem>>)
    %dma_wait3A = arith.constant 0 : i32
    %dma_wait3A_7 = arith.constant 0 : i32
    %dma_wait3A_8 = tpu.memref_slice %arg7[%dma_wait3A, %dma_wait3A_7] : memref<8192x128xf32, #tpu.memory_space<vmem_shared>> -> memref<8192x128xf32, #tpu.memory_space<vmem_shared>>
    tpu.wait_indirect_dma semaphore(%arg8 : memref<!tpu.dma_semaphore, #tpu.memory_space<semaphore_mem>>) src(%dma_wait3A_8 : memref<8192x128xf32, #tpu.memory_space<vmem_shared>>) dst(%arg6 : memref<128x128xf32, #tpu.memory_space<vmem>>)
    "tpu.region"() ({
      %run_scoped3A = tpu.sem_alloc : memref<!tpu.dma_semaphore, #tpu.memory_space<semaphore_mem>>
      %dma_start3A_9 = arith.constant 0 : i32
      %dma_start3A_10 = tpu.memref_slice %arg4[%mul3A_4, %dma_start3A_9] : memref<4096x128xf32, #tpu.memory_space<hbm>> -> memref<128x128xf32, #tpu.memory_space<hbm>>
      %dma_start3A_11 = arith.constant 0 : i32
      %dma_start3A_12 = tpu.memref_slice %arg4[%mul3A_4, %dma_start3A_11] : memref<4096x128xf32, #tpu.memory_space<hbm>> -> memref<128x128xf32, #tpu.memory_space<hbm>>
      tpu.enqueue_dma source(%arg6 : memref<128x128xf32, #tpu.memory_space<vmem>>) target(%dma_start3A_12 : memref<128x128xf32, #tpu.memory_space<hbm>>) target_semaphore(%run_scoped3A : memref<!tpu.dma_semaphore, #tpu.memory_space<semaphore_mem>>)
      %dma_wait3A_13 = arith.constant 0 : i32
      %dma_wait3A_14 = tpu.memref_slice %arg4[%mul3A_4, %dma_wait3A_13] : memref<4096x128xf32, #tpu.memory_space<hbm>> -> memref<128x128xf32, #tpu.memory_space<hbm>>
      %dma_wait3A_15 = arith.constant 0 : i32
      %dma_wait3A_16 = tpu.memref_slice %arg4[%mul3A_4, %dma_wait3A_15] : memref<4096x128xf32, #tpu.memory_space<hbm>> -> memref<128x128xf32, #tpu.memory_space<hbm>>
      tpu.wait_dma2 semaphore(%run_scoped3A : memref<!tpu.dma_semaphore, #tpu.memory_space<semaphore_mem>>) src(%arg6 : memref<128x128xf32, #tpu.memory_space<vmem>>) dst(%dma_wait3A_16 : memref<128x128xf32, #tpu.memory_space<hbm>>)
      tpu.yield
    }) : () -> ()
    return
  }
}

#map = affine_map<(d0, d1) -> (0, 0)>
#map1 = affine_map<(d0, d1) -> (0)>
module attributes {stable_mosaic.version = 14 : i64} {
  func.func @gather_k(%arg0: i32, %arg1: i32, %arg2: memref<8192x128xf32, #tpu.memory_space<hbm>>, %arg3: memref<4096xi32, #tpu.memory_space<hbm>>, %arg4: memref<4096x128xf32, #tpu.memory_space<hbm>>, %arg5: memref<128xi32, #tpu.memory_space<vmem>>, %arg6: memref<128x128xf32, #tpu.memory_space<vmem>>, %arg7: memref<8192x128xf32, #tpu.memory_space<vmem_shared>>, %arg8: memref<!tpu.dma_semaphore, #tpu.memory_space<semaphore_mem>>) attributes {dimension_semantics = [#tpu.dimension_semantics<core_parallel>, #tpu.dimension_semantics<subcore_parallel>], iteration_bounds = array<i64: 2, 16>, scalar_prefetch = 0 : i64, scratch_operands = 4 : i64, tpu.core_type = #tpu.core_type<sc_vector_subcore>, window_params = [{transform_indices = #map}, {transform_indices = #map1}, {transform_indices = #map}]} {
    %mul3A = arith.constant 2 : i32
    %mul3A_0 = arith.muli %arg1, %mul3A : i32
    %add3A = arith.addi %mul3A_0, %arg0 : i32
    %mul3A_1 = arith.constant 512 : i32
    %mul3A_2 = arith.muli %arg1, %mul3A_1 : i32
    "tpu.region"() ({
      %run_scoped3A = tpu.sem_alloc : memref<!tpu.dma_semaphore, #tpu.memory_space<semaphore_mem>>
      %dma_start3A_9 = arith.constant 0 : i32
      %dma_start3A_10 = tpu.memref_slice %arg7[%mul3A_2, %dma_start3A_9] : memref<8192x128xf32, #tpu.memory_space<vmem_shared>> -> memref<512x128xf32, #tpu.memory_space<vmem_shared>>
      %dma_start3A_11 = arith.constant 0 : i32
      %dma_start3A_12 = tpu.memref_slice %arg2[%mul3A_2, %dma_start3A_11] : memref<8192x128xf32, #tpu.memory_space<hbm>> -> memref<512x128xf32, #tpu.memory_space<hbm>>
      tpu.enqueue_dma source(%dma_start3A_12 : memref<512x128xf32, #tpu.memory_space<hbm>>) target(%dma_start3A_10 : memref<512x128xf32, #tpu.memory_space<vmem_shared>>) target_semaphore(%run_scoped3A : memref<!tpu.dma_semaphore, #tpu.memory_space<semaphore_mem>>)
      %dma_wait3A_13 = arith.constant 0 : i32
      %dma_wait3A_14 = tpu.memref_slice %arg7[%mul3A_2, %dma_wait3A_13] : memref<8192x128xf32, #tpu.memory_space<vmem_shared>> -> memref<512x128xf32, #tpu.memory_space<vmem_shared>>
      %dma_wait3A_15 = arith.constant 0 : i32
      %dma_wait3A_16 = tpu.memref_slice %arg2[%mul3A_2, %dma_wait3A_15] : memref<8192x128xf32, #tpu.memory_space<hbm>> -> memref<512x128xf32, #tpu.memory_space<hbm>>
      tpu.wait_dma2 semaphore(%run_scoped3A : memref<!tpu.dma_semaphore, #tpu.memory_space<semaphore_mem>>) src(%dma_wait3A_16 : memref<512x128xf32, #tpu.memory_space<hbm>>) dst(%dma_wait3A_14 : memref<512x128xf32, #tpu.memory_space<vmem_shared>>)
      tpu.yield
    }) : () -> ()
    %barrier3A = arith.constant 0 : index
    tpu.barrier barrier_id(%barrier3A)
    %mul3A_3 = arith.constant 128 : i32
    %mul3A_4 = arith.muli %add3A, %mul3A_3 : i32
    "tpu.region"() ({
      %run_scoped3A = tpu.sem_alloc : memref<!tpu.dma_semaphore, #tpu.memory_space<semaphore_mem>>
      %dma_start3A_9 = tpu.memref_slice %arg3[%mul3A_4] : memref<4096xi32, #tpu.memory_space<hbm>> -> memref<128xi32, #tpu.memory_space<hbm>>
      %dma_start3A_10 = tpu.memref_slice %arg3[%mul3A_4] : memref<4096xi32, #tpu.memory_space<hbm>> -> memref<128xi32, #tpu.memory_space<hbm>>
      tpu.enqueue_dma source(%dma_start3A_10 : memref<128xi32, #tpu.memory_space<hbm>>) target(%arg5 : memref<128xi32, #tpu.memory_space<vmem>>) target_semaphore(%run_scoped3A : memref<!tpu.dma_semaphore, #tpu.memory_space<semaphore_mem>>)
      %dma_wait3A_11 = tpu.memref_slice %arg3[%mul3A_4] : memref<4096xi32, #tpu.memory_space<hbm>> -> memref<128xi32, #tpu.memory_space<hbm>>
      %dma_wait3A_12 = tpu.memref_slice %arg3[%mul3A_4] : memref<4096xi32, #tpu.memory_space<hbm>> -> memref<128xi32, #tpu.memory_space<hbm>>
      tpu.wait_dma2 semaphore(%run_scoped3A : memref<!tpu.dma_semaphore, #tpu.memory_space<semaphore_mem>>) src(%dma_wait3A_12 : memref<128xi32, #tpu.memory_space<hbm>>) dst(%arg5 : memref<128xi32, #tpu.memory_space<vmem>>)
      tpu.yield
    }) : () -> ()
    %dma_start3A = arith.constant 0 : i32
    %dma_start3A_5 = arith.constant 0 : i32
    %dma_start3A_6 = tpu.memref_slice %arg7[%dma_start3A, %dma_start3A_5] : memref<8192x128xf32, #tpu.memory_space<vmem_shared>> -> memref<8192x128xf32, #tpu.memory_space<vmem_shared>>
    tpu.enqueue_indirect_dma source(%dma_start3A_6 : memref<8192x128xf32, #tpu.memory_space<vmem_shared>>) target(%arg6 : memref<128x128xf32, #tpu.memory_space<vmem>>) offsets(%arg5 : memref<128xi32, #tpu.memory_space<vmem>>) semaphore(%arg8 : memref<!tpu.dma_semaphore, #tpu.memory_space<semaphore_mem>>)
    %dma_wait3A = arith.constant 0 : i32
    %dma_wait3A_7 = arith.constant 0 : i32
    %dma_wait3A_8 = tpu.memref_slice %arg7[%dma_wait3A, %dma_wait3A_7] : memref<8192x128xf32, #tpu.memory_space<vmem_shared>> -> memref<8192x128xf32, #tpu.memory_space<vmem_shared>>
    tpu.wait_indirect_dma semaphore(%arg8 : memref<!tpu.dma_semaphore, #tpu.memory_space<semaphore_mem>>) src(%dma_wait3A_8 : memref<8192x128xf32, #tpu.memory_space<vmem_shared>>) dst(%arg6 : memref<128x128xf32, #tpu.memory_space<vmem>>)
    "tpu.region"() ({
      %run_scoped3A = tpu.sem_alloc : memref<!tpu.dma_semaphore, #tpu.memory_space<semaphore_mem>>
      %dma_start3A_9 = arith.constant 0 : i32
      %dma_start3A_10 = tpu.memref_slice %arg4[%mul3A_4, %dma_start3A_9] : memref<4096x128xf32, #tpu.memory_space<hbm>> -> memref<128x128xf32, #tpu.memory_space<hbm>>
      %dma_start3A_11 = arith.constant 0 : i32
      %dma_start3A_12 = tpu.memref_slice %arg4[%mul3A_4, %dma_start3A_11] : memref<4096x128xf32, #tpu.memory_space<hbm>> -> memref<128x128xf32, #tpu.memory_space<hbm>>
      tpu.enqueue_dma source(%arg6 : memref<128x128xf32, #tpu.memory_space<vmem>>) target(%dma_start3A_12 : memref<128x128xf32, #tpu.memory_space<hbm>>) target_semaphore(%run_scoped3A : memref<!tpu.dma_semaphore, #tpu.memory_space<semaphore_mem>>)
      %dma_wait3A_13 = arith.constant 0 : i32
      %dma_wait3A_14 = tpu.memref_slice %arg4[%mul3A_4, %dma_wait3A_13] : memref<4096x128xf32, #tpu.memory_space<hbm>> -> memref<128x128xf32, #tpu.memory_space<hbm>>
      %dma_wait3A_15 = arith.constant 0 : i32
      %dma_wait3A_16 = tpu.memref_slice %arg4[%mul3A_4, %dma_wait3A_15] : memref<4096x128xf32, #tpu.memory_space<hbm>> -> memref<128x128xf32, #tpu.memory_space<hbm>>
      tpu.wait_dma2 semaphore(%run_scoped3A : memref<!tpu.dma_semaphore, #tpu.memory_space<semaphore_mem>>) src(%arg6 : memref<128x128xf32, #tpu.memory_space<vmem>>) dst(%dma_wait3A_16 : memref<128x128xf32, #tpu.memory_space<hbm>>)
      tpu.yield
    }) : () -> ()
    return
  }
}

module attributes {stable_mosaic.version = 14 : i64} {
  func.func @_n2_body(%arg0: memref<8192x64xf32, #tpu.memory_space<vmem>>, %arg1: memref<1x8192xf32, #tpu.memory_space<vmem>>, %arg2: memref<8192x128xf32, #tpu.memory_space<vmem>>) attributes {dimension_semantics = [], scalar_prefetch = 0 : i64, scratch_operands = 0 : i64, tpu.core_type = #tpu.core_type<tc>} {
    %get3A = arith.constant 0 : index
    %get3A_0 = arith.constant 0 : index
    %get3A_1 = vector.load %arg0[%get3A, %get3A_0] : memref<8192x64xf32, #tpu.memory_space<vmem>>, vector<8192x64xf32>
    %mul3A = arith.mulf %get3A_1, %get3A_1 : vector<8192x64xf32>
    %reduce_sum3A = arith.constant dense<0.000000e+00> : vector<8192xf32>
    %reduce_sum3A_2 = vector.multi_reduction <add>, %mul3A, %reduce_sum3A [1] : vector<8192x64xf32> to vector<8192xf32>
    %reshape3A = vector.shape_cast %reduce_sum3A_2 : vector<8192xf32> to vector<1x8192xf32>
    %swap3A = arith.constant 0 : index
    %swap3A_3 = arith.constant 0 : index
    %swap3A_4 = vector.load %arg1[%swap3A, %swap3A_3] : memref<1x8192xf32, #tpu.memory_space<vmem>>, vector<1x8192xf32>
    tpu.vector_store %arg1[%swap3A, %swap3A_3], %reshape3A {strides = array<i32>} : memref<1x8192xf32, #tpu.memory_space<vmem>>, vector<1x8192xf32>,
    %swap3A_5 = arith.constant 0 : index
    %swap3A_6 = arith.constant 0 : index
    %swap3A_7 = vector.load %arg2[%swap3A_5, %swap3A_6] : memref<8192x128xf32, #tpu.memory_space<vmem>>, vector<8192x64xf32>
    tpu.vector_store %arg2[%swap3A_5, %swap3A_6], %get3A_1 {strides = array<i32>} : memref<8192x128xf32, #tpu.memory_space<vmem>>, vector<8192x64xf32>,
    %broadcast_in_dim3A = arith.constant 0.000000e+00 : f32
    %broadcast_in_dim3A_8 = vector.broadcast %broadcast_in_dim3A : f32 to vector<8192x64xf32>
    %swap3A_9 = arith.constant 0 : index
    %swap3A_10 = arith.constant 64 : index
    %swap3A_11 = vector.load %arg2[%swap3A_9, %swap3A_10] : memref<8192x128xf32, #tpu.memory_space<vmem>>, vector<8192x64xf32>
    tpu.vector_store %arg2[%swap3A_9, %swap3A_10], %broadcast_in_dim3A_8 {strides = array<i32>} : memref<8192x128xf32, #tpu.memory_space<vmem>>, vector<8192x64xf32>,
    return
  }
}

module attributes {stable_mosaic.version = 14 : i64} {
  func.func @_enc_vq_body(%arg0: i32, %arg1: memref<512x768xf32, #tpu.memory_space<vmem>>, %arg2: memref<768x512xf32, #tpu.memory_space<vmem>>, %arg3: memref<1x512xf32, #tpu.memory_space<vmem>>, %arg4: memref<512x256xf32, #tpu.memory_space<vmem>>, %arg5: memref<1x256xf32, #tpu.memory_space<vmem>>, %arg6: memref<256x64xf32, #tpu.memory_space<vmem>>, %arg7: memref<1x64xf32, #tpu.memory_space<vmem>>, %arg8: memref<8192x64xf32, #tpu.memory_space<vmem>>, %arg9: memref<1x8192xf32, #tpu.memory_space<vmem>>, %arg10: memref<512x64xf32, #tpu.memory_space<vmem>>, %arg11: memref<1x1x512xi32, #tpu.memory_space<vmem>>) attributes {dimension_semantics = [#tpu.dimension_semantics<arbitrary>], iteration_bounds = array<i64: 8>, scalar_prefetch = 0 : i64, scratch_operands = 0 : i64, tpu.core_type = #tpu.core_type<tc>, window_params = [{transform_indices = @transform_0, window_bounds = array<i64: 512, 768>}, {pipeline_mode = #tpu.pipeline_mode<synchronous>, transform_indices = @transform_1, window_bounds = array<i64: 768, 512>}, {pipeline_mode = #tpu.pipeline_mode<synchronous>, transform_indices = @transform_2, window_bounds = array<i64: 1, 512>}, {pipeline_mode = #tpu.pipeline_mode<synchronous>, transform_indices = @transform_3, window_bounds = array<i64: 512, 256>}, {pipeline_mode = #tpu.pipeline_mode<synchronous>, transform_indices = @transform_4, window_bounds = array<i64: 1, 256>}, {pipeline_mode = #tpu.pipeline_mode<synchronous>, transform_indices = @transform_5, window_bounds = array<i64: 256, 64>}, {pipeline_mode = #tpu.pipeline_mode<synchronous>, transform_indices = @transform_6, window_bounds = array<i64: 1, 64>}, {pipeline_mode = #tpu.pipeline_mode<synchronous>, transform_indices = @transform_7, window_bounds = array<i64: 8192, 64>}, {pipeline_mode = #tpu.pipeline_mode<synchronous>, transform_indices = @transform_8, window_bounds = array<i64: 1, 8192>}, {transform_indices = @transform_9, window_bounds = array<i64: 512, 64>}, {transform_indices = @transform_10, window_bounds = array<i64: 1, 1, 512>}]} {
    %get3A = arith.constant 0 : index
    %get3A_0 = arith.constant 0 : index
    %get3A_1 = vector.load %arg1[%get3A, %get3A_0] : memref<512x768xf32, #tpu.memory_space<vmem>>, vector<512x768xf32>
    %get3A_2 = arith.constant 0 : index
    %get3A_3 = arith.constant 0 : index
    %get3A_4 = vector.load %arg2[%get3A_2, %get3A_3] : memref<768x512xf32, #tpu.memory_space<vmem>>, vector<768x512xf32>
    %dot_general3A = arith.constant dense<0.000000e+00> : vector<512x512xf32>
    %dot_general3A_5 = tpu.matmul %get3A_1, %get3A_4, %dot_general3A {dimension_numbers = #tpu.dot_dimension_numbers<[1], [0], [0], [1], [0, 0, 1, 1], [], []>, transpose_lhs_hint = false} : vector<512x768xf32>, vector<768x512xf32>, vector<512x512xf32> -> vector<512x512xf32>
    %get3A_6 = arith.constant 0 : index
    %get3A_7 = arith.constant 0 : index
    %get3A_8 = vector.load %arg3[%get3A_6, %get3A_7] : memref<1x512xf32, #tpu.memory_space<vmem>>, vector<1x512xf32>
    %add3A = vector.broadcast %get3A_8 : vector<1x512xf32> to vector<512x512xf32>
    %add3A_9 = arith.addf %dot_general3A_5, %add3A : vector<512x512xf32>
    %max3A = arith.constant 0.000000e+00 : f32
    %max3A_10 = vector.broadcast %max3A : f32 to vector<512x512xf32>
    %max3A_11 = arith.maximumf %add3A_9, %max3A_10 : vector<512x512xf32>
    %get3A_12 = arith.constant 0 : index
    %get3A_13 = arith.constant 0 : index
    %get3A_14 = vector.load %arg4[%get3A_12, %get3A_13] : memref<512x256xf32, #tpu.memory_space<vmem>>, vector<512x256xf32>
    %dot_general3A_15 = arith.constant dense<0.000000e+00> : vector<512x256xf32>
    %dot_general3A_16 = tpu.matmul %max3A_11, %get3A_14, %dot_general3A_15 {dimension_numbers = #tpu.dot_dimension_numbers<[1], [0], [0], [1], [0, 0, 1, 1], [], []>, transpose_lhs_hint = false} : vector<512x512xf32>, vector<512x256xf32>, vector<512x256xf32> -> vector<512x256xf32>
    %get3A_17 = arith.constant 0 : index
    %get3A_18 = arith.constant 0 : index
    %get3A_19 = vector.load %arg5[%get3A_17, %get3A_18] : memref<1x256xf32, #tpu.memory_space<vmem>>, vector<1x256xf32>
    %add3A_20 = vector.broadcast %get3A_19 : vector<1x256xf32> to vector<512x256xf32>
    %add3A_21 = arith.addf %dot_general3A_16, %add3A_20 : vector<512x256xf32>
    %max3A_22 = arith.constant 0.000000e+00 : f32
    %max3A_23 = vector.broadcast %max3A_22 : f32 to vector<512x256xf32>
    %max3A_24 = arith.maximumf %add3A_21, %max3A_23 : vector<512x256xf32>
    %get3A_25 = arith.constant 0 : index
    %get3A_26 = arith.constant 0 : index
    %get3A_27 = vector.load %arg6[%get3A_25, %get3A_26] : memref<256x64xf32, #tpu.memory_space<vmem>>, vector<256x64xf32>
    %dot_general3A_28 = arith.constant dense<0.000000e+00> : vector<512x64xf32>
    %dot_general3A_29 = tpu.matmul %max3A_24, %get3A_27, %dot_general3A_28 {dimension_numbers = #tpu.dot_dimension_numbers<[1], [0], [0], [1], [0, 0, 1, 1], [], []>, transpose_lhs_hint = false} : vector<512x256xf32>, vector<256x64xf32>, vector<512x64xf32> -> vector<512x64xf32>
    %get3A_30 = arith.constant 0 : index
    %get3A_31 = arith.constant 0 : index
    %get3A_32 = vector.load %arg7[%get3A_30, %get3A_31] : memref<1x64xf32, #tpu.memory_space<vmem>>, vector<1x64xf32>
    %add3A_33 = vector.broadcast %get3A_32 : vector<1x64xf32> to vector<512x64xf32>
    %add3A_34 = arith.addf %dot_general3A_29, %add3A_33 : vector<512x64xf32>
    %swap3A = arith.constant 0 : index
    %swap3A_35 = arith.constant 0 : index
    %swap3A_36 = vector.load %arg10[%swap3A, %swap3A_35] : memref<512x64xf32, #tpu.memory_space<vmem>>, vector<512x64xf32>
    tpu.vector_store %arg10[%swap3A, %swap3A_35], %add3A_34 {strides = array<i32>} : memref<512x64xf32, #tpu.memory_space<vmem>>, vector<512x64xf32>,
    %mul3A = arith.mulf %add3A_34, %add3A_34 : vector<512x64xf32>
    %reduce_sum3A = arith.constant dense<0.000000e+00> : vector<512xf32>
    %reduce_sum3A_37 = vector.multi_reduction <add>, %mul3A, %reduce_sum3A [1] : vector<512x64xf32> to vector<512xf32>
    %broadcast_in_dim3A = vector.shape_cast %reduce_sum3A_37 : vector<512xf32> to vector<512x1xf32>
    %add3A_38 = arith.addf %add3A_34, %add3A_34 : vector<512x64xf32>
    %broadcast_in_dim3A_39 = arith.constant 0x7F800000 : f32
    %broadcast_in_dim3A_40 = vector.broadcast %broadcast_in_dim3A_39 : f32 to vector<512xf32>
    %broadcast_in_dim3A_41 = arith.constant 0 : i32
    %broadcast_in_dim3A_42 = vector.broadcast %broadcast_in_dim3A_41 : i32 to vector<512xi32>
    %get3A_43 = arith.constant 0 : index
    %get3A_44 = arith.constant 0 : index
    %get3A_45 = vector.load %arg8[%get3A_43, %get3A_44] : memref<8192x64xf32, #tpu.memory_space<vmem>>, vector<2048x64xf32>
    %get3A_46 = arith.constant 0 : index
    %get3A_47 = arith.constant 0 : index
    %get3A_48 = vector.load %arg9[%get3A_46, %get3A_47] : memref<1x8192xf32, #tpu.memory_space<vmem>>, vector<1x2048xf32>
    %dot_general3A_49 = arith.constant dense<0.000000e+00> : vector<512x2048xf32>
    %dot_general3A_50 = tpu.matmul %add3A_38, %get3A_45, %dot_general3A_49 {dimension_numbers = #tpu.dot_dimension_numbers<[1], [1], [0], [0], [0, 0, 1, 0], [], []>, transpose_lhs_hint = false} : vector<512x64xf32>, vector<2048x64xf32>, vector<512x2048xf32> -> vector<512x2048xf32>
    %sub3A = vector.broadcast %broadcast_in_dim3A : vector<512x1xf32> to vector<512x2048xf32>
    %sub3A_51 = arith.subf %sub3A, %dot_general3A_50 : vector<512x2048xf32>
    %add3A_52 = vector.broadcast %get3A_48 : vector<1x2048xf32> to vector<512x2048xf32>
    %add3A_53 = arith.addf %sub3A_51, %add3A_52 : vector<512x2048xf32>
    %reduce_min3A = arith.constant dense<0x7F800000> : vector<512xf32>
    %reduce_min3A_54 = vector.multi_reduction <minimumf>, %add3A_53, %reduce_min3A [1] : vector<512x2048xf32> to vector<512xf32>
    %iota3A = tpu.iota {dimensions = array<i32: 1>} : vector<512x2048xi32>
    %broadcast_in_dim3A_55 = vector.shape_cast %reduce_min3A_54 : vector<512xf32> to vector<512x1xf32>
    %eq3A = vector.broadcast %broadcast_in_dim3A_55 : vector<512x1xf32> to vector<512x2048xf32>
    %eq3A_56 = arith.cmpf oeq, %add3A_53, %eq3A : vector<512x2048xf32>
    %jit3A = arith.constant 8192 : i32
    %broadcast_in_dim3A_57 = vector.broadcast %jit3A : i32 to vector<512x2048xi32>
    %select_n3A = arith.select %eq3A_56, %iota3A, %broadcast_in_dim3A_57 : vector<512x2048xi1>, vector<512x2048xi32>
    %reduce_min3A_58 = arith.constant dense<2147483647> : vector<512xi32>
    %reduce_min3A_59 = vector.multi_reduction <minsi>, %select_n3A, %reduce_min3A_58 [1] : vector<512x2048xi32> to vector<512xi32>
    %lt3A = arith.cmpf olt, %reduce_min3A_54, %broadcast_in_dim3A_40 : vector<512xf32>
    %select_n3A_60 = arith.select %lt3A, %reduce_min3A_54, %broadcast_in_dim3A_40 : vector<512xi1>, vector<512xf32>
    %add3A_61 = arith.constant 0 : i32
    %add3A_62 = vector.broadcast %add3A_61 : i32 to vector<512xi32>
    %add3A_63 = arith.addi %reduce_min3A_59, %add3A_62 : vector<512xi32>
    %select_n3A_64 = arith.select %lt3A, %add3A_63, %broadcast_in_dim3A_42 : vector<512xi1>, vector<512xi32>
    %get3A_65 = arith.constant 2048 : index
    %get3A_66 = arith.constant 0 : index
    %get3A_67 = vector.load %arg8[%get3A_65, %get3A_66] : memref<8192x64xf32, #tpu.memory_space<vmem>>, vector<2048x64xf32>
    %get3A_68 = arith.constant 0 : index
    %get3A_69 = arith.constant 2048 : index
    %get3A_70 = vector.load %arg9[%get3A_68, %get3A_69] : memref<1x8192xf32, #tpu.memory_space<vmem>>, vector<1x2048xf32>
    %dot_general3A_71 = arith.constant dense<0.000000e+00> : vector<512x2048xf32>
    %dot_general3A_72 = tpu.matmul %add3A_38, %get3A_67, %dot_general3A_71 {dimension_numbers = #tpu.dot_dimension_numbers<[1], [1], [0], [0], [0, 0, 1, 0], [], []>, transpose_lhs_hint = false} : vector<512x64xf32>, vector<2048x64xf32>, vector<512x2048xf32> -> vector<512x2048xf32>
    %sub3A_73 = vector.broadcast %broadcast_in_dim3A : vector<512x1xf32> to vector<512x2048xf32>
    %sub3A_74 = arith.subf %sub3A_73, %dot_general3A_72 : vector<512x2048xf32>
    %add3A_75 = vector.broadcast %get3A_70 : vector<1x2048xf32> to vector<512x2048xf32>
    %add3A_76 = arith.addf %sub3A_74, %add3A_75 : vector<512x2048xf32>
    %reduce_min3A_77 = arith.constant dense<0x7F800000> : vector<512xf32>
    %reduce_min3A_78 = vector.multi_reduction <minimumf>, %add3A_76, %reduce_min3A_77 [1] : vector<512x2048xf32> to vector<512xf32>
    %iota3A_79 = tpu.iota {dimensions = array<i32: 1>} : vector<512x2048xi32>
    %broadcast_in_dim3A_80 = vector.shape_cast %reduce_min3A_78 : vector<512xf32> to vector<512x1xf32>
    %eq3A_81 = vector.broadcast %broadcast_in_dim3A_80 : vector<512x1xf32> to vector<512x2048xf32>
    %eq3A_82 = arith.cmpf oeq, %add3A_76, %eq3A_81 : vector<512x2048xf32>
    %jit3A_83 = arith.constant 8192 : i32
    %broadcast_in_dim3A_84 = vector.broadcast %jit3A_83 : i32 to vector<512x2048xi32>
    %select_n3A_85 = arith.select %eq3A_82, %iota3A_79, %broadcast_in_dim3A_84 : vector<512x2048xi1>, vector<512x2048xi32>
    %reduce_min3A_86 = arith.constant dense<2147483647> : vector<512xi32>
    %reduce_min3A_87 = vector.multi_reduction <minsi>, %select_n3A_85, %reduce_min3A_86 [1] : vector<512x2048xi32> to vector<512xi32>
    %lt3A_88 = arith.cmpf olt, %reduce_min3A_78, %select_n3A_60 : vector<512xf32>
    %select_n3A_89 = arith.select %lt3A_88, %reduce_min3A_78, %select_n3A_60 : vector<512xi1>, vector<512xf32>
    %add3A_90 = arith.constant 2048 : i32
    %add3A_91 = vector.broadcast %add3A_90 : i32 to vector<512xi32>
    %add3A_92 = arith.addi %reduce_min3A_87, %add3A_91 : vector<512xi32>
    %select_n3A_93 = arith.select %lt3A_88, %add3A_92, %select_n3A_64 : vector<512xi1>, vector<512xi32>
    %get3A_94 = arith.constant 4096 : index
    %get3A_95 = arith.constant 0 : index
    %get3A_96 = vector.load %arg8[%get3A_94, %get3A_95] : memref<8192x64xf32, #tpu.memory_space<vmem>>, vector<2048x64xf32>
    %get3A_97 = arith.constant 0 : index
    %get3A_98 = arith.constant 4096 : index
    %get3A_99 = vector.load %arg9[%get3A_97, %get3A_98] : memref<1x8192xf32, #tpu.memory_space<vmem>>, vector<1x2048xf32>
    %dot_general3A_100 = arith.constant dense<0.000000e+00> : vector<512x2048xf32>
    %dot_general3A_101 = tpu.matmul %add3A_38, %get3A_96, %dot_general3A_100 {dimension_numbers = #tpu.dot_dimension_numbers<[1], [1], [0], [0], [0, 0, 1, 0], [], []>, transpose_lhs_hint = false} : vector<512x64xf32>, vector<2048x64xf32>, vector<512x2048xf32> -> vector<512x2048xf32>
    %sub3A_102 = vector.broadcast %broadcast_in_dim3A : vector<512x1xf32> to vector<512x2048xf32>
    %sub3A_103 = arith.subf %sub3A_102, %dot_general3A_101 : vector<512x2048xf32>
    %add3A_104 = vector.broadcast %get3A_99 : vector<1x2048xf32> to vector<512x2048xf32>
    %add3A_105 = arith.addf %sub3A_103, %add3A_104 : vector<512x2048xf32>
    %reduce_min3A_106 = arith.constant dense<0x7F800000> : vector<512xf32>
    %reduce_min3A_107 = vector.multi_reduction <minimumf>, %add3A_105, %reduce_min3A_106 [1] : vector<512x2048xf32> to vector<512xf32>
    %iota3A_108 = tpu.iota {dimensions = array<i32: 1>} : vector<512x2048xi32>
    %broadcast_in_dim3A_109 = vector.shape_cast %reduce_min3A_107 : vector<512xf32> to vector<512x1xf32>
    %eq3A_110 = vector.broadcast %broadcast_in_dim3A_109 : vector<512x1xf32> to vector<512x2048xf32>
    %eq3A_111 = arith.cmpf oeq, %add3A_105, %eq3A_110 : vector<512x2048xf32>
    %jit3A_112 = arith.constant 8192 : i32
    %broadcast_in_dim3A_113 = vector.broadcast %jit3A_112 : i32 to vector<512x2048xi32>
    %select_n3A_114 = arith.select %eq3A_111, %iota3A_108, %broadcast_in_dim3A_113 : vector<512x2048xi1>, vector<512x2048xi32>
    %reduce_min3A_115 = arith.constant dense<2147483647> : vector<512xi32>
    %reduce_min3A_116 = vector.multi_reduction <minsi>, %select_n3A_114, %reduce_min3A_115 [1] : vector<512x2048xi32> to vector<512xi32>
    %lt3A_117 = arith.cmpf olt, %reduce_min3A_107, %select_n3A_89 : vector<512xf32>
    %select_n3A_118 = arith.select %lt3A_117, %reduce_min3A_107, %select_n3A_89 : vector<512xi1>, vector<512xf32>
    %add3A_119 = arith.constant 4096 : i32
    %add3A_120 = vector.broadcast %add3A_119 : i32 to vector<512xi32>
    %add3A_121 = arith.addi %reduce_min3A_116, %add3A_120 : vector<512xi32>
    %select_n3A_122 = arith.select %lt3A_117, %add3A_121, %select_n3A_93 : vector<512xi1>, vector<512xi32>
    %get3A_123 = arith.constant 6144 : index
    %get3A_124 = arith.constant 0 : index
    %get3A_125 = vector.load %arg8[%get3A_123, %get3A_124] : memref<8192x64xf32, #tpu.memory_space<vmem>>, vector<2048x64xf32>
    %get3A_126 = arith.constant 0 : index
    %get3A_127 = arith.constant 6144 : index
    %get3A_128 = vector.load %arg9[%get3A_126, %get3A_127] : memref<1x8192xf32, #tpu.memory_space<vmem>>, vector<1x2048xf32>
    %dot_general3A_129 = arith.constant dense<0.000000e+00> : vector<512x2048xf32>
    %dot_general3A_130 = tpu.matmul %add3A_38, %get3A_125, %dot_general3A_129 {dimension_numbers = #tpu.dot_dimension_numbers<[1], [1], [0], [0], [0, 0, 1, 0], [], []>, transpose_lhs_hint = false} : vector<512x64xf32>, vector<2048x64xf32>, vector<512x2048xf32> -> vector<512x2048xf32>
    %sub3A_131 = vector.broadcast %broadcast_in_dim3A : vector<512x1xf32> to vector<512x2048xf32>
    %sub3A_132 = arith.subf %sub3A_131, %dot_general3A_130 : vector<512x2048xf32>
    %add3A_133 = vector.broadcast %get3A_128 : vector<1x2048xf32> to vector<512x2048xf32>
    %add3A_134 = arith.addf %sub3A_132, %add3A_133 : vector<512x2048xf32>
    %reduce_min3A_135 = arith.constant dense<0x7F800000> : vector<512xf32>
    %reduce_min3A_136 = vector.multi_reduction <minimumf>, %add3A_134, %reduce_min3A_135 [1] : vector<512x2048xf32> to vector<512xf32>
    %iota3A_137 = tpu.iota {dimensions = array<i32: 1>} : vector<512x2048xi32>
    %broadcast_in_dim3A_138 = vector.shape_cast %reduce_min3A_136 : vector<512xf32> to vector<512x1xf32>
    %eq3A_139 = vector.broadcast %broadcast_in_dim3A_138 : vector<512x1xf32> to vector<512x2048xf32>
    %eq3A_140 = arith.cmpf oeq, %add3A_134, %eq3A_139 : vector<512x2048xf32>
    %jit3A_141 = arith.constant 8192 : i32
    %broadcast_in_dim3A_142 = vector.broadcast %jit3A_141 : i32 to vector<512x2048xi32>
    %select_n3A_143 = arith.select %eq3A_140, %iota3A_137, %broadcast_in_dim3A_142 : vector<512x2048xi1>, vector<512x2048xi32>
    %reduce_min3A_144 = arith.constant dense<2147483647> : vector<512xi32>
    %reduce_min3A_145 = vector.multi_reduction <minsi>, %select_n3A_143, %reduce_min3A_144 [1] : vector<512x2048xi32> to vector<512xi32>
    %lt3A_146 = arith.cmpf olt, %reduce_min3A_136, %select_n3A_118 : vector<512xf32>
    %add3A_147 = arith.constant 6144 : i32
    %add3A_148 = vector.broadcast %add3A_147 : i32 to vector<512xi32>
    %add3A_149 = arith.addi %reduce_min3A_145, %add3A_148 : vector<512xi32>
    %select_n3A_150 = arith.select %lt3A_146, %add3A_149, %select_n3A_122 : vector<512xi1>, vector<512xi32>
    %swap3A_151 = arith.constant 0 : index
    %swap3A_152 = arith.constant 0 : index
    %swap3A_153 = arith.constant 0 : index
    %swap3A_154 = vector.load %arg11[%swap3A_151, %swap3A_152, %swap3A_153] : memref<1x1x512xi32, #tpu.memory_space<vmem>>, vector<1x1x512xi32>
    %swap3A_155 = vector.shape_cast %swap3A_154 : vector<1x1x512xi32> to vector<512xi32>
    %swap3A_156 = vector.shape_cast %select_n3A_150 : vector<512xi32> to vector<1x1x512xi32>
    tpu.vector_store %arg11[%swap3A_151, %swap3A_152, %swap3A_153], %swap3A_156 {strides = array<i32>} : memref<1x1x512xi32, #tpu.memory_space<vmem>>, vector<1x1x512xi32>,
    return
  }
  func.func @transform_0(%arg0: i32) -> (i32, i32) {
    %add3A = arith.constant 8 : i32
    %add3A_0 = arith.addi %arg0, %add3A : i32
    %c0_i32 = arith.constant 0 : i32
    %c0_i32_1 = arith.constant 0 : i32
    return %add3A_0, %c0_i32 : i32, i32
  }
  func.func @transform_1(%arg0: i32) -> (i32, i32) {
    %c0_i32 = arith.constant 0 : i32
    %c0_i32_0 = arith.constant 0 : i32
    %c0_i32_1 = arith.constant 0 : i32
    return %c0_i32, %c0_i32_0 : i32, i32
  }
  func.func @transform_2(%arg0: i32) -> (i32, i32) {
    %c0_i32 = arith.constant 0 : i32
    %c0_i32_0 = arith.constant 0 : i32
    %c0_i32_1 = arith.constant 0 : i32
    return %c0_i32, %c0_i32_0 : i32, i32
  }
  func.func @transform_3(%arg0: i32) -> (i32, i32) {
    %c0_i32 = arith.constant 0 : i32
    %c0_i32_0 = arith.constant 0 : i32
    %c0_i32_1 = arith.constant 0 : i32
    return %c0_i32, %c0_i32_0 : i32, i32
  }
  func.func @transform_4(%arg0: i32) -> (i32, i32) {
    %c0_i32 = arith.constant 0 : i32
    %c0_i32_0 = arith.constant 0 : i32
    %c0_i32_1 = arith.constant 0 : i32
    return %c0_i32, %c0_i32_0 : i32, i32
  }
  func.func @transform_5(%arg0: i32) -> (i32, i32) {
    %c0_i32 = arith.constant 0 : i32
    %c0_i32_0 = arith.constant 0 : i32
    %c0_i32_1 = arith.constant 0 : i32
    return %c0_i32, %c0_i32_0 : i32, i32
  }
  func.func @transform_6(%arg0: i32) -> (i32, i32) {
    %c0_i32 = arith.constant 0 : i32
    %c0_i32_0 = arith.constant 0 : i32
    %c0_i32_1 = arith.constant 0 : i32
    return %c0_i32, %c0_i32_0 : i32, i32
  }
  func.func @transform_7(%arg0: i32) -> (i32, i32) {
    %c0_i32 = arith.constant 0 : i32
    %c0_i32_0 = arith.constant 0 : i32
    %c0_i32_1 = arith.constant 0 : i32
    return %c0_i32, %c0_i32_0 : i32, i32
  }
  func.func @transform_8(%arg0: i32) -> (i32, i32) {
    %c0_i32 = arith.constant 0 : i32
    %c0_i32_0 = arith.constant 0 : i32
    %c0_i32_1 = arith.constant 0 : i32
    return %c0_i32, %c0_i32_0 : i32, i32
  }
  func.func @transform_9(%arg0: i32) -> (i32, i32) {
    %c0_i32 = arith.constant 0 : i32
    %c0_i32_0 = arith.constant 0 : i32
    return %arg0, %c0_i32 : i32, i32
  }
  func.func @transform_10(%arg0: i32) -> (i32, i32, i32) {
    %c0_i32 = arith.constant 0 : i32
    %c0_i32_0 = arith.constant 0 : i32
    %c0_i32_1 = arith.constant 0 : i32
    return %arg0, %c0_i32, %c0_i32_0 : i32, i32, i32
  }
}

module attributes {stable_mosaic.version = 14 : i64} {
  func.func @_enc_vq_body(%arg0: i32, %arg1: memref<512x768xf32, #tpu.memory_space<vmem>>, %arg2: memref<768x512xf32, #tpu.memory_space<vmem>>, %arg3: memref<1x512xf32, #tpu.memory_space<vmem>>, %arg4: memref<512x256xf32, #tpu.memory_space<vmem>>, %arg5: memref<1x256xf32, #tpu.memory_space<vmem>>, %arg6: memref<256x64xf32, #tpu.memory_space<vmem>>, %arg7: memref<1x64xf32, #tpu.memory_space<vmem>>, %arg8: memref<8192x64xf32, #tpu.memory_space<vmem>>, %arg9: memref<1x8192xf32, #tpu.memory_space<vmem>>, %arg10: memref<512x64xf32, #tpu.memory_space<vmem>>, %arg11: memref<1x1x512xi32, #tpu.memory_space<vmem>>) attributes {dimension_semantics = [#tpu.dimension_semantics<arbitrary>], iteration_bounds = array<i64: 8>, scalar_prefetch = 0 : i64, scratch_operands = 0 : i64, tpu.core_type = #tpu.core_type<tc>, window_params = [{transform_indices = @transform_0, window_bounds = array<i64: 512, 768>}, {pipeline_mode = #tpu.pipeline_mode<synchronous>, transform_indices = @transform_1, window_bounds = array<i64: 768, 512>}, {pipeline_mode = #tpu.pipeline_mode<synchronous>, transform_indices = @transform_2, window_bounds = array<i64: 1, 512>}, {pipeline_mode = #tpu.pipeline_mode<synchronous>, transform_indices = @transform_3, window_bounds = array<i64: 512, 256>}, {pipeline_mode = #tpu.pipeline_mode<synchronous>, transform_indices = @transform_4, window_bounds = array<i64: 1, 256>}, {pipeline_mode = #tpu.pipeline_mode<synchronous>, transform_indices = @transform_5, window_bounds = array<i64: 256, 64>}, {pipeline_mode = #tpu.pipeline_mode<synchronous>, transform_indices = @transform_6, window_bounds = array<i64: 1, 64>}, {pipeline_mode = #tpu.pipeline_mode<synchronous>, transform_indices = @transform_7, window_bounds = array<i64: 8192, 64>}, {pipeline_mode = #tpu.pipeline_mode<synchronous>, transform_indices = @transform_8, window_bounds = array<i64: 1, 8192>}, {transform_indices = @transform_9, window_bounds = array<i64: 512, 64>}, {transform_indices = @transform_10, window_bounds = array<i64: 1, 1, 512>}]} {
    %get3A = arith.constant 0 : index
    %get3A_0 = arith.constant 0 : index
    %get3A_1 = vector.load %arg1[%get3A, %get3A_0] : memref<512x768xf32, #tpu.memory_space<vmem>>, vector<512x768xf32>
    %get3A_2 = arith.constant 0 : index
    %get3A_3 = arith.constant 0 : index
    %get3A_4 = vector.load %arg2[%get3A_2, %get3A_3] : memref<768x512xf32, #tpu.memory_space<vmem>>, vector<768x512xf32>
    %dot_general3A = arith.constant dense<0.000000e+00> : vector<512x512xf32>
    %dot_general3A_5 = tpu.matmul %get3A_1, %get3A_4, %dot_general3A {dimension_numbers = #tpu.dot_dimension_numbers<[1], [0], [0], [1], [0, 0, 1, 1], [], []>, transpose_lhs_hint = false} : vector<512x768xf32>, vector<768x512xf32>, vector<512x512xf32> -> vector<512x512xf32>
    %get3A_6 = arith.constant 0 : index
    %get3A_7 = arith.constant 0 : index
    %get3A_8 = vector.load %arg3[%get3A_6, %get3A_7] : memref<1x512xf32, #tpu.memory_space<vmem>>, vector<1x512xf32>
    %add3A = vector.broadcast %get3A_8 : vector<1x512xf32> to vector<512x512xf32>
    %add3A_9 = arith.addf %dot_general3A_5, %add3A : vector<512x512xf32>
    %max3A = arith.constant 0.000000e+00 : f32
    %max3A_10 = vector.broadcast %max3A : f32 to vector<512x512xf32>
    %max3A_11 = arith.maximumf %add3A_9, %max3A_10 : vector<512x512xf32>
    %get3A_12 = arith.constant 0 : index
    %get3A_13 = arith.constant 0 : index
    %get3A_14 = vector.load %arg4[%get3A_12, %get3A_13] : memref<512x256xf32, #tpu.memory_space<vmem>>, vector<512x256xf32>
    %dot_general3A_15 = arith.constant dense<0.000000e+00> : vector<512x256xf32>
    %dot_general3A_16 = tpu.matmul %max3A_11, %get3A_14, %dot_general3A_15 {dimension_numbers = #tpu.dot_dimension_numbers<[1], [0], [0], [1], [0, 0, 1, 1], [], []>, transpose_lhs_hint = false} : vector<512x512xf32>, vector<512x256xf32>, vector<512x256xf32> -> vector<512x256xf32>
    %get3A_17 = arith.constant 0 : index
    %get3A_18 = arith.constant 0 : index
    %get3A_19 = vector.load %arg5[%get3A_17, %get3A_18] : memref<1x256xf32, #tpu.memory_space<vmem>>, vector<1x256xf32>
    %add3A_20 = vector.broadcast %get3A_19 : vector<1x256xf32> to vector<512x256xf32>
    %add3A_21 = arith.addf %dot_general3A_16, %add3A_20 : vector<512x256xf32>
    %max3A_22 = arith.constant 0.000000e+00 : f32
    %max3A_23 = vector.broadcast %max3A_22 : f32 to vector<512x256xf32>
    %max3A_24 = arith.maximumf %add3A_21, %max3A_23 : vector<512x256xf32>
    %get3A_25 = arith.constant 0 : index
    %get3A_26 = arith.constant 0 : index
    %get3A_27 = vector.load %arg6[%get3A_25, %get3A_26] : memref<256x64xf32, #tpu.memory_space<vmem>>, vector<256x64xf32>
    %dot_general3A_28 = arith.constant dense<0.000000e+00> : vector<512x64xf32>
    %dot_general3A_29 = tpu.matmul %max3A_24, %get3A_27, %dot_general3A_28 {dimension_numbers = #tpu.dot_dimension_numbers<[1], [0], [0], [1], [0, 0, 1, 1], [], []>, transpose_lhs_hint = false} : vector<512x256xf32>, vector<256x64xf32>, vector<512x64xf32> -> vector<512x64xf32>
    %get3A_30 = arith.constant 0 : index
    %get3A_31 = arith.constant 0 : index
    %get3A_32 = vector.load %arg7[%get3A_30, %get3A_31] : memref<1x64xf32, #tpu.memory_space<vmem>>, vector<1x64xf32>
    %add3A_33 = vector.broadcast %get3A_32 : vector<1x64xf32> to vector<512x64xf32>
    %add3A_34 = arith.addf %dot_general3A_29, %add3A_33 : vector<512x64xf32>
    %swap3A = arith.constant 0 : index
    %swap3A_35 = arith.constant 0 : index
    %swap3A_36 = vector.load %arg10[%swap3A, %swap3A_35] : memref<512x64xf32, #tpu.memory_space<vmem>>, vector<512x64xf32>
    tpu.vector_store %arg10[%swap3A, %swap3A_35], %add3A_34 {strides = array<i32>} : memref<512x64xf32, #tpu.memory_space<vmem>>, vector<512x64xf32>,
    %mul3A = arith.mulf %add3A_34, %add3A_34 : vector<512x64xf32>
    %reduce_sum3A = arith.constant dense<0.000000e+00> : vector<512xf32>
    %reduce_sum3A_37 = vector.multi_reduction <add>, %mul3A, %reduce_sum3A [1] : vector<512x64xf32> to vector<512xf32>
    %broadcast_in_dim3A = vector.shape_cast %reduce_sum3A_37 : vector<512xf32> to vector<512x1xf32>
    %add3A_38 = arith.addf %add3A_34, %add3A_34 : vector<512x64xf32>
    %broadcast_in_dim3A_39 = arith.constant 0x7F800000 : f32
    %broadcast_in_dim3A_40 = vector.broadcast %broadcast_in_dim3A_39 : f32 to vector<512xf32>
    %broadcast_in_dim3A_41 = arith.constant 0 : i32
    %broadcast_in_dim3A_42 = vector.broadcast %broadcast_in_dim3A_41 : i32 to vector<512xi32>
    %get3A_43 = arith.constant 0 : index
    %get3A_44 = arith.constant 0 : index
    %get3A_45 = vector.load %arg8[%get3A_43, %get3A_44] : memref<8192x64xf32, #tpu.memory_space<vmem>>, vector<2048x64xf32>
    %get3A_46 = arith.constant 0 : index
    %get3A_47 = arith.constant 0 : index
    %get3A_48 = vector.load %arg9[%get3A_46, %get3A_47] : memref<1x8192xf32, #tpu.memory_space<vmem>>, vector<1x2048xf32>
    %dot_general3A_49 = arith.constant dense<0.000000e+00> : vector<512x2048xf32>
    %dot_general3A_50 = tpu.matmul %add3A_38, %get3A_45, %dot_general3A_49 {dimension_numbers = #tpu.dot_dimension_numbers<[1], [1], [0], [0], [0, 0, 1, 0], [], []>, transpose_lhs_hint = false} : vector<512x64xf32>, vector<2048x64xf32>, vector<512x2048xf32> -> vector<512x2048xf32>
    %sub3A = vector.broadcast %broadcast_in_dim3A : vector<512x1xf32> to vector<512x2048xf32>
    %sub3A_51 = arith.subf %sub3A, %dot_general3A_50 : vector<512x2048xf32>
    %add3A_52 = vector.broadcast %get3A_48 : vector<1x2048xf32> to vector<512x2048xf32>
    %add3A_53 = arith.addf %sub3A_51, %add3A_52 : vector<512x2048xf32>
    %reduce_min3A = arith.constant dense<0x7F800000> : vector<512xf32>
    %reduce_min3A_54 = vector.multi_reduction <minimumf>, %add3A_53, %reduce_min3A [1] : vector<512x2048xf32> to vector<512xf32>
    %iota3A = tpu.iota {dimensions = array<i32: 1>} : vector<512x2048xi32>
    %broadcast_in_dim3A_55 = vector.shape_cast %reduce_min3A_54 : vector<512xf32> to vector<512x1xf32>
    %eq3A = vector.broadcast %broadcast_in_dim3A_55 : vector<512x1xf32> to vector<512x2048xf32>
    %eq3A_56 = arith.cmpf oeq, %add3A_53, %eq3A : vector<512x2048xf32>
    %jit3A = arith.constant 8192 : i32
    %broadcast_in_dim3A_57 = vector.broadcast %jit3A : i32 to vector<512x2048xi32>
    %select_n3A = arith.select %eq3A_56, %iota3A, %broadcast_in_dim3A_57 : vector<512x2048xi1>, vector<512x2048xi32>
    %reduce_min3A_58 = arith.constant dense<2147483647> : vector<512xi32>
    %reduce_min3A_59 = vector.multi_reduction <minsi>, %select_n3A, %reduce_min3A_58 [1] : vector<512x2048xi32> to vector<512xi32>
    %lt3A = arith.cmpf olt, %reduce_min3A_54, %broadcast_in_dim3A_40 : vector<512xf32>
    %select_n3A_60 = arith.select %lt3A, %reduce_min3A_54, %broadcast_in_dim3A_40 : vector<512xi1>, vector<512xf32>
    %add3A_61 = arith.constant 0 : i32
    %add3A_62 = vector.broadcast %add3A_61 : i32 to vector<512xi32>
    %add3A_63 = arith.addi %reduce_min3A_59, %add3A_62 : vector<512xi32>
    %select_n3A_64 = arith.select %lt3A, %add3A_63, %broadcast_in_dim3A_42 : vector<512xi1>, vector<512xi32>
    %get3A_65 = arith.constant 2048 : index
    %get3A_66 = arith.constant 0 : index
    %get3A_67 = vector.load %arg8[%get3A_65, %get3A_66] : memref<8192x64xf32, #tpu.memory_space<vmem>>, vector<2048x64xf32>
    %get3A_68 = arith.constant 0 : index
    %get3A_69 = arith.constant 2048 : index
    %get3A_70 = vector.load %arg9[%get3A_68, %get3A_69] : memref<1x8192xf32, #tpu.memory_space<vmem>>, vector<1x2048xf32>
    %dot_general3A_71 = arith.constant dense<0.000000e+00> : vector<512x2048xf32>
    %dot_general3A_72 = tpu.matmul %add3A_38, %get3A_67, %dot_general3A_71 {dimension_numbers = #tpu.dot_dimension_numbers<[1], [1], [0], [0], [0, 0, 1, 0], [], []>, transpose_lhs_hint = false} : vector<512x64xf32>, vector<2048x64xf32>, vector<512x2048xf32> -> vector<512x2048xf32>
    %sub3A_73 = vector.broadcast %broadcast_in_dim3A : vector<512x1xf32> to vector<512x2048xf32>
    %sub3A_74 = arith.subf %sub3A_73, %dot_general3A_72 : vector<512x2048xf32>
    %add3A_75 = vector.broadcast %get3A_70 : vector<1x2048xf32> to vector<512x2048xf32>
    %add3A_76 = arith.addf %sub3A_74, %add3A_75 : vector<512x2048xf32>
    %reduce_min3A_77 = arith.constant dense<0x7F800000> : vector<512xf32>
    %reduce_min3A_78 = vector.multi_reduction <minimumf>, %add3A_76, %reduce_min3A_77 [1] : vector<512x2048xf32> to vector<512xf32>
    %iota3A_79 = tpu.iota {dimensions = array<i32: 1>} : vector<512x2048xi32>
    %broadcast_in_dim3A_80 = vector.shape_cast %reduce_min3A_78 : vector<512xf32> to vector<512x1xf32>
    %eq3A_81 = vector.broadcast %broadcast_in_dim3A_80 : vector<512x1xf32> to vector<512x2048xf32>
    %eq3A_82 = arith.cmpf oeq, %add3A_76, %eq3A_81 : vector<512x2048xf32>
    %jit3A_83 = arith.constant 8192 : i32
    %broadcast_in_dim3A_84 = vector.broadcast %jit3A_83 : i32 to vector<512x2048xi32>
    %select_n3A_85 = arith.select %eq3A_82, %iota3A_79, %broadcast_in_dim3A_84 : vector<512x2048xi1>, vector<512x2048xi32>
    %reduce_min3A_86 = arith.constant dense<2147483647> : vector<512xi32>
    %reduce_min3A_87 = vector.multi_reduction <minsi>, %select_n3A_85, %reduce_min3A_86 [1] : vector<512x2048xi32> to vector<512xi32>
    %lt3A_88 = arith.cmpf olt, %reduce_min3A_78, %select_n3A_60 : vector<512xf32>
    %select_n3A_89 = arith.select %lt3A_88, %reduce_min3A_78, %select_n3A_60 : vector<512xi1>, vector<512xf32>
    %add3A_90 = arith.constant 2048 : i32
    %add3A_91 = vector.broadcast %add3A_90 : i32 to vector<512xi32>
    %add3A_92 = arith.addi %reduce_min3A_87, %add3A_91 : vector<512xi32>
    %select_n3A_93 = arith.select %lt3A_88, %add3A_92, %select_n3A_64 : vector<512xi1>, vector<512xi32>
    %get3A_94 = arith.constant 4096 : index
    %get3A_95 = arith.constant 0 : index
    %get3A_96 = vector.load %arg8[%get3A_94, %get3A_95] : memref<8192x64xf32, #tpu.memory_space<vmem>>, vector<2048x64xf32>
    %get3A_97 = arith.constant 0 : index
    %get3A_98 = arith.constant 4096 : index
    %get3A_99 = vector.load %arg9[%get3A_97, %get3A_98] : memref<1x8192xf32, #tpu.memory_space<vmem>>, vector<1x2048xf32>
    %dot_general3A_100 = arith.constant dense<0.000000e+00> : vector<512x2048xf32>
    %dot_general3A_101 = tpu.matmul %add3A_38, %get3A_96, %dot_general3A_100 {dimension_numbers = #tpu.dot_dimension_numbers<[1], [1], [0], [0], [0, 0, 1, 0], [], []>, transpose_lhs_hint = false} : vector<512x64xf32>, vector<2048x64xf32>, vector<512x2048xf32> -> vector<512x2048xf32>
    %sub3A_102 = vector.broadcast %broadcast_in_dim3A : vector<512x1xf32> to vector<512x2048xf32>
    %sub3A_103 = arith.subf %sub3A_102, %dot_general3A_101 : vector<512x2048xf32>
    %add3A_104 = vector.broadcast %get3A_99 : vector<1x2048xf32> to vector<512x2048xf32>
    %add3A_105 = arith.addf %sub3A_103, %add3A_104 : vector<512x2048xf32>
    %reduce_min3A_106 = arith.constant dense<0x7F800000> : vector<512xf32>
    %reduce_min3A_107 = vector.multi_reduction <minimumf>, %add3A_105, %reduce_min3A_106 [1] : vector<512x2048xf32> to vector<512xf32>
    %iota3A_108 = tpu.iota {dimensions = array<i32: 1>} : vector<512x2048xi32>
    %broadcast_in_dim3A_109 = vector.shape_cast %reduce_min3A_107 : vector<512xf32> to vector<512x1xf32>
    %eq3A_110 = vector.broadcast %broadcast_in_dim3A_109 : vector<512x1xf32> to vector<512x2048xf32>
    %eq3A_111 = arith.cmpf oeq, %add3A_105, %eq3A_110 : vector<512x2048xf32>
    %jit3A_112 = arith.constant 8192 : i32
    %broadcast_in_dim3A_113 = vector.broadcast %jit3A_112 : i32 to vector<512x2048xi32>
    %select_n3A_114 = arith.select %eq3A_111, %iota3A_108, %broadcast_in_dim3A_113 : vector<512x2048xi1>, vector<512x2048xi32>
    %reduce_min3A_115 = arith.constant dense<2147483647> : vector<512xi32>
    %reduce_min3A_116 = vector.multi_reduction <minsi>, %select_n3A_114, %reduce_min3A_115 [1] : vector<512x2048xi32> to vector<512xi32>
    %lt3A_117 = arith.cmpf olt, %reduce_min3A_107, %select_n3A_89 : vector<512xf32>
    %select_n3A_118 = arith.select %lt3A_117, %reduce_min3A_107, %select_n3A_89 : vector<512xi1>, vector<512xf32>
    %add3A_119 = arith.constant 4096 : i32
    %add3A_120 = vector.broadcast %add3A_119 : i32 to vector<512xi32>
    %add3A_121 = arith.addi %reduce_min3A_116, %add3A_120 : vector<512xi32>
    %select_n3A_122 = arith.select %lt3A_117, %add3A_121, %select_n3A_93 : vector<512xi1>, vector<512xi32>
    %get3A_123 = arith.constant 6144 : index
    %get3A_124 = arith.constant 0 : index
    %get3A_125 = vector.load %arg8[%get3A_123, %get3A_124] : memref<8192x64xf32, #tpu.memory_space<vmem>>, vector<2048x64xf32>
    %get3A_126 = arith.constant 0 : index
    %get3A_127 = arith.constant 6144 : index
    %get3A_128 = vector.load %arg9[%get3A_126, %get3A_127] : memref<1x8192xf32, #tpu.memory_space<vmem>>, vector<1x2048xf32>
    %dot_general3A_129 = arith.constant dense<0.000000e+00> : vector<512x2048xf32>
    %dot_general3A_130 = tpu.matmul %add3A_38, %get3A_125, %dot_general3A_129 {dimension_numbers = #tpu.dot_dimension_numbers<[1], [1], [0], [0], [0, 0, 1, 0], [], []>, transpose_lhs_hint = false} : vector<512x64xf32>, vector<2048x64xf32>, vector<512x2048xf32> -> vector<512x2048xf32>
    %sub3A_131 = vector.broadcast %broadcast_in_dim3A : vector<512x1xf32> to vector<512x2048xf32>
    %sub3A_132 = arith.subf %sub3A_131, %dot_general3A_130 : vector<512x2048xf32>
    %add3A_133 = vector.broadcast %get3A_128 : vector<1x2048xf32> to vector<512x2048xf32>
    %add3A_134 = arith.addf %sub3A_132, %add3A_133 : vector<512x2048xf32>
    %reduce_min3A_135 = arith.constant dense<0x7F800000> : vector<512xf32>
    %reduce_min3A_136 = vector.multi_reduction <minimumf>, %add3A_134, %reduce_min3A_135 [1] : vector<512x2048xf32> to vector<512xf32>
    %iota3A_137 = tpu.iota {dimensions = array<i32: 1>} : vector<512x2048xi32>
    %broadcast_in_dim3A_138 = vector.shape_cast %reduce_min3A_136 : vector<512xf32> to vector<512x1xf32>
    %eq3A_139 = vector.broadcast %broadcast_in_dim3A_138 : vector<512x1xf32> to vector<512x2048xf32>
    %eq3A_140 = arith.cmpf oeq, %add3A_134, %eq3A_139 : vector<512x2048xf32>
    %jit3A_141 = arith.constant 8192 : i32
    %broadcast_in_dim3A_142 = vector.broadcast %jit3A_141 : i32 to vector<512x2048xi32>
    %select_n3A_143 = arith.select %eq3A_140, %iota3A_137, %broadcast_in_dim3A_142 : vector<512x2048xi1>, vector<512x2048xi32>
    %reduce_min3A_144 = arith.constant dense<2147483647> : vector<512xi32>
    %reduce_min3A_145 = vector.multi_reduction <minsi>, %select_n3A_143, %reduce_min3A_144 [1] : vector<512x2048xi32> to vector<512xi32>
    %lt3A_146 = arith.cmpf olt, %reduce_min3A_136, %select_n3A_118 : vector<512xf32>
    %add3A_147 = arith.constant 6144 : i32
    %add3A_148 = vector.broadcast %add3A_147 : i32 to vector<512xi32>
    %add3A_149 = arith.addi %reduce_min3A_145, %add3A_148 : vector<512xi32>
    %select_n3A_150 = arith.select %lt3A_146, %add3A_149, %select_n3A_122 : vector<512xi1>, vector<512xi32>
    %swap3A_151 = arith.constant 0 : index
    %swap3A_152 = arith.constant 0 : index
    %swap3A_153 = arith.constant 0 : index
    %swap3A_154 = vector.load %arg11[%swap3A_151, %swap3A_152, %swap3A_153] : memref<1x1x512xi32, #tpu.memory_space<vmem>>, vector<1x1x512xi32>
    %swap3A_155 = vector.shape_cast %swap3A_154 : vector<1x1x512xi32> to vector<512xi32>
    %swap3A_156 = vector.shape_cast %select_n3A_150 : vector<512xi32> to vector<1x1x512xi32>
    tpu.vector_store %arg11[%swap3A_151, %swap3A_152, %swap3A_153], %swap3A_156 {strides = array<i32>} : memref<1x1x512xi32, #tpu.memory_space<vmem>>, vector<1x1x512xi32>,
    return
  }
  func.func @transform_0(%arg0: i32) -> (i32, i32) {
    %add3A = arith.constant 0 : i32
    %add3A_0 = arith.addi %arg0, %add3A : i32
    %c0_i32 = arith.constant 0 : i32
    %c0_i32_1 = arith.constant 0 : i32
    return %add3A_0, %c0_i32 : i32, i32
  }
  func.func @transform_1(%arg0: i32) -> (i32, i32) {
    %c0_i32 = arith.constant 0 : i32
    %c0_i32_0 = arith.constant 0 : i32
    %c0_i32_1 = arith.constant 0 : i32
    return %c0_i32, %c0_i32_0 : i32, i32
  }
  func.func @transform_2(%arg0: i32) -> (i32, i32) {
    %c0_i32 = arith.constant 0 : i32
    %c0_i32_0 = arith.constant 0 : i32
    %c0_i32_1 = arith.constant 0 : i32
    return %c0_i32, %c0_i32_0 : i32, i32
  }
  func.func @transform_3(%arg0: i32) -> (i32, i32) {
    %c0_i32 = arith.constant 0 : i32
    %c0_i32_0 = arith.constant 0 : i32
    %c0_i32_1 = arith.constant 0 : i32
    return %c0_i32, %c0_i32_0 : i32, i32
  }
  func.func @transform_4(%arg0: i32) -> (i32, i32) {
    %c0_i32 = arith.constant 0 : i32
    %c0_i32_0 = arith.constant 0 : i32
    %c0_i32_1 = arith.constant 0 : i32
    return %c0_i32, %c0_i32_0 : i32, i32
  }
  func.func @transform_5(%arg0: i32) -> (i32, i32) {
    %c0_i32 = arith.constant 0 : i32
    %c0_i32_0 = arith.constant 0 : i32
    %c0_i32_1 = arith.constant 0 : i32
    return %c0_i32, %c0_i32_0 : i32, i32
  }
  func.func @transform_6(%arg0: i32) -> (i32, i32) {
    %c0_i32 = arith.constant 0 : i32
    %c0_i32_0 = arith.constant 0 : i32
    %c0_i32_1 = arith.constant 0 : i32
    return %c0_i32, %c0_i32_0 : i32, i32
  }
  func.func @transform_7(%arg0: i32) -> (i32, i32) {
    %c0_i32 = arith.constant 0 : i32
    %c0_i32_0 = arith.constant 0 : i32
    %c0_i32_1 = arith.constant 0 : i32
    return %c0_i32, %c0_i32_0 : i32, i32
  }
  func.func @transform_8(%arg0: i32) -> (i32, i32) {
    %c0_i32 = arith.constant 0 : i32
    %c0_i32_0 = arith.constant 0 : i32
    %c0_i32_1 = arith.constant 0 : i32
    return %c0_i32, %c0_i32_0 : i32, i32
  }
  func.func @transform_9(%arg0: i32) -> (i32, i32) {
    %c0_i32 = arith.constant 0 : i32
    %c0_i32_0 = arith.constant 0 : i32
    return %arg0, %c0_i32 : i32, i32
  }
  func.func @transform_10(%arg0: i32) -> (i32, i32, i32) {
    %c0_i32 = arith.constant 0 : i32
    %c0_i32_0 = arith.constant 0 : i32
    %c0_i32_1 = arith.constant 0 : i32
    return %arg0, %c0_i32, %c0_i32_0 : i32, i32, i32
  }
}

module attributes {stable_mosaic.version = 14 : i64} {
  func.func @_dec_body(%arg0: i32, %arg1: memref<512x64xf32, #tpu.memory_space<vmem>>, %arg2: memref<512x128xf32, #tpu.memory_space<vmem>>, %arg3: memref<512x128xf32, #tpu.memory_space<vmem>>, %arg4: memref<64x256xf32, #tpu.memory_space<vmem>>, %arg5: memref<1x256xf32, #tpu.memory_space<vmem>>, %arg6: memref<256x512xf32, #tpu.memory_space<vmem>>, %arg7: memref<1x512xf32, #tpu.memory_space<vmem>>, %arg8: memref<512x768xf32, #tpu.memory_space<vmem>>, %arg9: memref<1x768xf32, #tpu.memory_space<vmem>>, %arg10: memref<512x768xf32, #tpu.memory_space<vmem>>, %arg11: memref<1x1xf32, #tpu.memory_space<vmem>>) attributes {dimension_semantics = [#tpu.dimension_semantics<arbitrary>], iteration_bounds = array<i64: 16>, scalar_prefetch = 0 : i64, scratch_operands = 0 : i64, tpu.core_type = #tpu.core_type<tc>, window_params = [{transform_indices = @transform_0, window_bounds = array<i64: 512, 64>}, {transform_indices = @transform_1, window_bounds = array<i64: 512, 128>}, {transform_indices = @transform_2, window_bounds = array<i64: 512, 128>}, {pipeline_mode = #tpu.pipeline_mode<synchronous>, transform_indices = @transform_3, window_bounds = array<i64: 64, 256>}, {pipeline_mode = #tpu.pipeline_mode<synchronous>, transform_indices = @transform_4, window_bounds = array<i64: 1, 256>}, {pipeline_mode = #tpu.pipeline_mode<synchronous>, transform_indices = @transform_5, window_bounds = array<i64: 256, 512>}, {pipeline_mode = #tpu.pipeline_mode<synchronous>, transform_indices = @transform_6, window_bounds = array<i64: 1, 512>}, {pipeline_mode = #tpu.pipeline_mode<synchronous>, transform_indices = @transform_7, window_bounds = array<i64: 512, 768>}, {pipeline_mode = #tpu.pipeline_mode<synchronous>, transform_indices = @transform_8, window_bounds = array<i64: 1, 768>}, {transform_indices = @transform_9, window_bounds = array<i64: 512, 768>}, {pipeline_mode = #tpu.pipeline_mode<synchronous>, transform_indices = @transform_10, window_bounds = array<i64: 1, 1>}]} {
    %get3A = arith.constant 0 : index
    %get3A_0 = arith.constant 0 : index
    %get3A_1 = vector.load %arg1[%get3A, %get3A_0] : memref<512x64xf32, #tpu.memory_space<vmem>>, vector<512x64xf32>
    %lt3A = arith.constant 8 : i32
    %lt3A_2 = arith.cmpi slt, %arg0, %lt3A : i32
    %get3A_3 = arith.constant 0 : index
    %get3A_4 = arith.constant 0 : index
    %get3A_5 = vector.load %arg2[%get3A_3, %get3A_4] : memref<512x128xf32, #tpu.memory_space<vmem>>, vector<512x64xf32>
    %get3A_6 = arith.constant 0 : index
    %get3A_7 = arith.constant 0 : index
    %get3A_8 = vector.load %arg3[%get3A_6, %get3A_7] : memref<512x128xf32, #tpu.memory_space<vmem>>, vector<512x64xf32>
    %select_n3A = arith.select %lt3A_2, %get3A_5, %get3A_8 : vector<512x64xf32>
    %sub3A = arith.subf %select_n3A, %get3A_1 : vector<512x64xf32>
    %add3A = arith.addf %get3A_1, %sub3A : vector<512x64xf32>
    %get3A_9 = arith.constant 0 : index
    %get3A_10 = arith.constant 0 : index
    %get3A_11 = vector.load %arg4[%get3A_9, %get3A_10] : memref<64x256xf32, #tpu.memory_space<vmem>>, vector<64x256xf32>
    %dot_general3A = arith.constant dense<0.000000e+00> : vector<512x256xf32>
    %dot_general3A_12 = tpu.matmul %add3A, %get3A_11, %dot_general3A {dimension_numbers = #tpu.dot_dimension_numbers<[1], [0], [0], [1], [0, 0, 1, 1], [], []>, transpose_lhs_hint = false} : vector<512x64xf32>, vector<64x256xf32>, vector<512x256xf32> -> vector<512x256xf32>
    %get3A_13 = arith.constant 0 : index
    %get3A_14 = arith.constant 0 : index
    %get3A_15 = vector.load %arg5[%get3A_13, %get3A_14] : memref<1x256xf32, #tpu.memory_space<vmem>>, vector<1x256xf32>
    %add3A_16 = vector.broadcast %get3A_15 : vector<1x256xf32> to vector<512x256xf32>
    %add3A_17 = arith.addf %dot_general3A_12, %add3A_16 : vector<512x256xf32>
    %max3A = arith.constant 0.000000e+00 : f32
    %max3A_18 = vector.broadcast %max3A : f32 to vector<512x256xf32>
    %max3A_19 = arith.maximumf %add3A_17, %max3A_18 : vector<512x256xf32>
    %get3A_20 = arith.constant 0 : index
    %get3A_21 = arith.constant 0 : index
    %get3A_22 = vector.load %arg6[%get3A_20, %get3A_21] : memref<256x512xf32, #tpu.memory_space<vmem>>, vector<256x512xf32>
    %dot_general3A_23 = arith.constant dense<0.000000e+00> : vector<512x512xf32>
    %dot_general3A_24 = tpu.matmul %max3A_19, %get3A_22, %dot_general3A_23 {dimension_numbers = #tpu.dot_dimension_numbers<[1], [0], [0], [1], [0, 0, 1, 1], [], []>, transpose_lhs_hint = false} : vector<512x256xf32>, vector<256x512xf32>, vector<512x512xf32> -> vector<512x512xf32>
    %get3A_25 = arith.constant 0 : index
    %get3A_26 = arith.constant 0 : index
    %get3A_27 = vector.load %arg7[%get3A_25, %get3A_26] : memref<1x512xf32, #tpu.memory_space<vmem>>, vector<1x512xf32>
    %add3A_28 = vector.broadcast %get3A_27 : vector<1x512xf32> to vector<512x512xf32>
    %add3A_29 = arith.addf %dot_general3A_24, %add3A_28 : vector<512x512xf32>
    %max3A_30 = arith.constant 0.000000e+00 : f32
    %max3A_31 = vector.broadcast %max3A_30 : f32 to vector<512x512xf32>
    %max3A_32 = arith.maximumf %add3A_29, %max3A_31 : vector<512x512xf32>
    %get3A_33 = arith.constant 0 : index
    %get3A_34 = arith.constant 0 : index
    %get3A_35 = vector.load %arg8[%get3A_33, %get3A_34] : memref<512x768xf32, #tpu.memory_space<vmem>>, vector<512x768xf32>
    %dot_general3A_36 = arith.constant dense<0.000000e+00> : vector<512x768xf32>
    %dot_general3A_37 = tpu.matmul %max3A_32, %get3A_35, %dot_general3A_36 {dimension_numbers = #tpu.dot_dimension_numbers<[1], [0], [0], [1], [0, 0, 1, 1], [], []>, transpose_lhs_hint = false} : vector<512x512xf32>, vector<512x768xf32>, vector<512x768xf32> -> vector<512x768xf32>
    %get3A_38 = arith.constant 0 : index
    %get3A_39 = arith.constant 0 : index
    %get3A_40 = vector.load %arg9[%get3A_38, %get3A_39] : memref<1x768xf32, #tpu.memory_space<vmem>>, vector<1x768xf32>
    %add3A_41 = vector.broadcast %get3A_40 : vector<1x768xf32> to vector<512x768xf32>
    %add3A_42 = arith.addf %dot_general3A_37, %add3A_41 : vector<512x768xf32>
    %tanh3A = math.tanh %add3A_42 : vector<512x768xf32>
    %swap3A = arith.constant 0 : index
    %swap3A_43 = arith.constant 0 : index
    %swap3A_44 = vector.load %arg10[%swap3A, %swap3A_43] : memref<512x768xf32, #tpu.memory_space<vmem>>, vector<512x768xf32>
    tpu.vector_store %arg10[%swap3A, %swap3A_43], %tanh3A {strides = array<i32>} : memref<512x768xf32, #tpu.memory_space<vmem>>, vector<512x768xf32>,
    %sub3A_45 = arith.subf %select_n3A, %get3A_1 : vector<512x64xf32>
    %integer_pow3A = arith.mulf %sub3A_45, %sub3A_45 : vector<512x64xf32>
    %reduce_sum3A = vector.shape_cast %integer_pow3A : vector<512x64xf32> to vector<1x512x64xf32>
    %reduce_sum3A_46 = arith.constant dense<0.000000e+00> : vector<1xf32>
    %reduce_sum3A_47 = vector.multi_reduction <add>, %reduce_sum3A, %reduce_sum3A_46 [1, 2] : vector<1x512x64xf32> to vector<1xf32>
    %reduce_sum3A_48 = vector.shape_cast %reduce_sum3A_47 : vector<1xf32> to vector<1x1x1xf32>
    %reduce_sum3A_49 = vector.extract %reduce_sum3A_48[0, 0, 0] : f32 from vector<1x1x1xf32>
    %reshape3A = vector.broadcast %reduce_sum3A_49 : f32 to vector<1x1xf32>
    %eq3A = arith.constant 0 : i32
    %eq3A_50 = arith.cmpi eq, %arg0, %eq3A : i32
    %convert_element_type3A = arith.extui %eq3A_50 : i1 to i32
    %cond3A = arith.constant 0 : i32
    %cond3A_51 = arith.cmpi ne, %convert_element_type3A, %cond3A : i32
    scf.if %cond3A_51 {
      %swap3A_56 = arith.constant 0 : index
      %swap3A_57 = arith.constant 0 : index
      %swap3A_58 = vector.load %arg11[%swap3A_56, %swap3A_57] : memref<1x1xf32, #tpu.memory_space<vmem>>, vector<1x1xf32>
      tpu.vector_store %arg11[%swap3A_56, %swap3A_57], %reshape3A {strides = array<i32>} : memref<1x1xf32, #tpu.memory_space<vmem>>, vector<1x1xf32>,
    } else {
    }
    %ne3A = arith.constant 0 : i32
    %ne3A_52 = arith.cmpi ne, %arg0, %ne3A : i32
    %convert_element_type3A_53 = arith.extui %ne3A_52 : i1 to i32
    %cond3A_54 = arith.constant 0 : i32
    %cond3A_55 = arith.cmpi ne, %convert_element_type3A_53, %cond3A_54 : i32
    scf.if %cond3A_55 {
      %get3A_56 = arith.constant 0 : index
      %get3A_57 = arith.constant 0 : index
      %get3A_58 = vector.load %arg11[%get3A_56, %get3A_57] : memref<1x1xf32, #tpu.memory_space<vmem>>, vector<1x1xf32>
      %add3A_59 = arith.addf %get3A_58, %reshape3A : vector<1x1xf32>
      %swap3A_60 = arith.constant 0 : index
      %swap3A_61 = arith.constant 0 : index
      %swap3A_62 = vector.load %arg11[%swap3A_60, %swap3A_61] : memref<1x1xf32, #tpu.memory_space<vmem>>, vector<1x1xf32>
      tpu.vector_store %arg11[%swap3A_60, %swap3A_61], %add3A_59 {strides = array<i32>} : memref<1x1xf32, #tpu.memory_space<vmem>>, vector<1x1xf32>,
    } else {
    }
    return
  }
  func.func @transform_0(%arg0: i32) -> (i32, i32) {
    %c0_i32 = arith.constant 0 : i32
    %c0_i32_0 = arith.constant 0 : i32
    return %arg0, %c0_i32 : i32, i32
  }
  func.func @transform_1(%arg0: i32) -> (i32, i32) {
    %min3A = arith.constant 7 : i32
    %min3A_0 = arith.minsi %arg0, %min3A : i32
    %c0_i32 = arith.constant 0 : i32
    %c0_i32_1 = arith.constant 0 : i32
    return %min3A_0, %c0_i32 : i32, i32
  }
  func.func @transform_2(%arg0: i32) -> (i32, i32) {
    %sub3A = arith.constant 8 : i32
    %sub3A_0 = arith.subi %arg0, %sub3A : i32
    %max3A = arith.constant 0 : i32
    %max3A_1 = arith.maxsi %sub3A_0, %max3A : i32
    %c0_i32 = arith.constant 0 : i32
    %c0_i32_2 = arith.constant 0 : i32
    return %max3A_1, %c0_i32 : i32, i32
  }
  func.func @transform_3(%arg0: i32) -> (i32, i32) {
    %c0_i32 = arith.constant 0 : i32
    %c0_i32_0 = arith.constant 0 : i32
    %c0_i32_1 = arith.constant 0 : i32
    return %c0_i32, %c0_i32_0 : i32, i32
  }
  func.func @transform_4(%arg0: i32) -> (i32, i32) {
    %c0_i32 = arith.constant 0 : i32
    %c0_i32_0 = arith.constant 0 : i32
    %c0_i32_1 = arith.constant 0 : i32
    return %c0_i32, %c0_i32_0 : i32, i32
  }
  func.func @transform_5(%arg0: i32) -> (i32, i32) {
    %c0_i32 = arith.constant 0 : i32
    %c0_i32_0 = arith.constant 0 : i32
    %c0_i32_1 = arith.constant 0 : i32
    return %c0_i32, %c0_i32_0 : i32, i32
  }
  func.func @transform_6(%arg0: i32) -> (i32, i32) {
    %c0_i32 = arith.constant 0 : i32
    %c0_i32_0 = arith.constant 0 : i32
    %c0_i32_1 = arith.constant 0 : i32
    return %c0_i32, %c0_i32_0 : i32, i32
  }
  func.func @transform_7(%arg0: i32) -> (i32, i32) {
    %c0_i32 = arith.constant 0 : i32
    %c0_i32_0 = arith.constant 0 : i32
    %c0_i32_1 = arith.constant 0 : i32
    return %c0_i32, %c0_i32_0 : i32, i32
  }
  func.func @transform_8(%arg0: i32) -> (i32, i32) {
    %c0_i32 = arith.constant 0 : i32
    %c0_i32_0 = arith.constant 0 : i32
    %c0_i32_1 = arith.constant 0 : i32
    return %c0_i32, %c0_i32_0 : i32, i32
  }
  func.func @transform_9(%arg0: i32) -> (i32, i32) {
    %c0_i32 = arith.constant 0 : i32
    %c0_i32_0 = arith.constant 0 : i32
    return %arg0, %c0_i32 : i32, i32
  }
  func.func @transform_10(%arg0: i32) -> (i32, i32) {
    %c0_i32 = arith.constant 0 : i32
    %c0_i32_0 = arith.constant 0 : i32
    %c0_i32_1 = arith.constant 0 : i32
    return %c0_i32, %c0_i32_0 : i32, i32
  }
}

</mosaic_0001>

<sc_bundles>
// kernel: kernel.11.cloned.1.call-start
scs
__scs_entry_jumppad:
0x0: {  	(pc) =	sbr.rel $0x88, $3  }
0x1: {  	(tag) =	ssettag $0x0;
	lr =	simm.s32 $0x1  }
0x2: {  	[smem:$0x3F93] =	sst lr;
	_ =	strace $0xD0000000  }
0x3: {  	_ = 	snop  }
0x4: {  	_ = 	snop  }
0x5: {  	_ = 	snop  }
0x6: {  	_ = 	snop  }
0x7: {  	_ = 	snop  }
__scs_overlays_trampoline_lowered:
0x8: {  	[smem:$0x3FA2] =	sst s0  }
0x9: {  	[smem:$0x3FA3] =	sst s1  }
0xa: {  	[smem:$0x3FA4] =	sst s2  }
0xb: {  	[smem:$0x3FA5] =	sst s3  }
0xc: {  	[smem:$0x3FA6] =	sst s4  }
0xd: {  	[smem:$0x3FA7] =	sst s5  }
0xe: {  	[smem:$0x3FA8] =	sst s6  }
0xf: {  	[smem:$0x3FA9] =	sst s7  }
0x10: {  	[smem:$0x3FAA] =	sst s8  }
0x11: {  	[smem:$0x3FAB] =	sst s9;
	s0 =	simm.s32 @!p0 $0x0  }
0x12: {  	s1 =	sld [smem:$0x3F91];
	s0 =	simm.s32 @p0 $0x1  }
0x13: {  	[smem:$0x3FAC] =	sst s0;
	s0 =	simm.s32 @!p1 $0x0  }
0x14: {  	s2 =	sld [smem:$0x3F90];
	s0 =	simm.s32 @p1 $0x1  }
0x15: {  	[smem:$0x3FAD] =	sst s0;
	s0 =	simm.s32 @!p2 $0x0  }
0x16: {  	s3 =	sld [smem:$0x3FDB];
	s0 =	simm.s32 @p2 $0x1  }
0x17: {  	s4 =	simm.s32 $0x1BF5;
	[smem:$0x3FAF] =	sst s0  }
0x18: {  	s0 =	sld [smem:$0x3F92];
	_ =	swait.ge [sflag:s4], $0x0  }
0x19: {  	s7 =	sld [smem:$0x3F93]  }
0x1a: {  	s8 =	sadd.s32 $0xFFFFE003, lr  }
0x1b: {  	s9 =	sadd.s32 $0xFFFFFEF7, lr;
	s5 =	simm.s32 $0xFFFFFFFF;
	p2 =	slt.u32 s8, $0xFFFFF086  }
0x1c: {  	p1 =	slt.u32 s9, $0xF7A;
	s5 =	simm.s32 @!p2 $0x0  }
0x1d: {  	s5 =	simm.s32 @p1 $0x1;
	p0 =	seq.s32 s7, s2  }
0x1e: {  	s7 =	smul.u32 @!p0 $0xF7A, s2;
	p2 =	seq.s32 @!p0 s5, $0x0  }
0x1f: {  	s9 =	smul.u32 $0xF7A, s1;
	s8 =	simm.s32 @!p0 $0x1BF5;
	p2 =	por !p2, p0  }
0x20: {  	[sflag:s8] =	ssyncset.s32 @!p0 $0xFFFFF086;
	s6 =	sadd.s32 @!p0 s3, s7;
	s7 =	simm.s32 @!p0 $0x108  }
0x21: {  	s3 =	sadd.s32 s3, s9;
	s6 =	sadd.s32 @!p0 $0x88, s6;
	s7 =	simm.s32 @p2 $0x1082  }
0x22: {  	[simem:s7], [sflag:s8] =	dma.local @!p0 [hbm:s6], $0xF7A  }
0x23: {  	s9 =	sor.u32 $0xD0000000, s2;
	s6 =	simm.s32 $0x108;
	_ =	swait.ge @!p0 [sflag:s8], $0x0  }
0x24: {  	s3 =	sadd.s32 $0x88, s3;
	s6 =	simm.s32 @!p1 $0x1082;
	[sflag:s4] =	ssyncset.s32 $0xFFFFF086  }
0x25: {  	[simem:s6], [sflag:s4] =	dma.local [hbm:s3], $0xF7A  }
0x26: {  	[smem:$0x3F93] =	sst s1;
	(tag) =	ssettag s2;
	_ =	strace s9  }
0x27: {  	s1 =	sld [smem:$0x3FA3]  }
0x28: {  	s2 =	sld [smem:$0x3FA4]  }
0x29: {  	s4 =	sld [smem:$0x3FA6]  }
0x2a: {  	p0 =	seq.s32 s5, $0x0;
	s5 =	sld [smem:$0x3FA7]  }
0x2b: {  	s6 =	sld [smem:$0x3FA8]  }
0x2c: {  	s7 =	sld [smem:$0x3FA9]  }
0x2d: {  	s3 =	simm.s32 $0x108;
	s8 =	sld [smem:$0x3FAA]  }
0x2e: {  	s3 =	simm.s32 @!p0 $0x1082;
	s9 =	sld [smem:$0x3FAB]  }
0x2f: {  	lr =	sadd.s32 s0, s3;
	s0 =	sld [smem:$0x3FA2]  }
0x30: {  	s3 =	sld [smem:$0x3FA5]  }
0x31: {  	[smem:$0x3FAE] =	sst s10  }
0x32: {  	s10 =	sld [smem:$0x3FAC];
	_ =	sdelay $0x3  }
0x33: {  	p0 =	seq.s32 s10, $0x1;
	s10 =	sld [smem:$0x3FAE];
	_ =	sdelay $0x3  }
0x34: {  	[smem:$0x3FAE] =	sst s10  }
0x35: {  	s10 =	sld [smem:$0x3FAD];
	_ =	sdelay $0x3  }
0x36: {  	p1 =	seq.s32 s10, $0x1;
	s10 =	sld [smem:$0x3FAE];
	_ =	sdelay $0x3  }
0x37: {  	[smem:$0x3FAE] =	sst s10  }
0x38: {  	s10 =	sld [smem:$0x3FAF]  }
0x39: {  	_ = 	snop;
	(pc) =	sbr.ind lr, $3  }
0x3a: {  	_ = 	snop  }
0x3b: {  	_ = 	snop  }
0x3c: {  	p2 =	seq.s32 s10, $0x1;
	s10 =	sld [smem:$0x3FAE]  }
0x3d: {  	_ =	shalt  }
0x3e: {  	_ =	shalt  }
0x3f: {  	_ =	shalt  }
0x40: {  	_ =	shalt  }
0x41: {  	_ =	shalt  }
0x42: {  	_ =	shalt  }
0x43: {  	_ =	shalt  }
0x44: {  	_ =	shalt  }
0x45: {  	_ =	shalt  }
0x46: {  	_ =	shalt  }
0x47: {  	_ =	shalt  }
0x48: {  	_ =	shalt  }
0x49: {  	_ =	shalt  }
0x4a: {  	_ =	shalt  }
0x4b: {  	_ =	shalt  }
0x4c: {  	_ =	shalt  }
0x4d: {  	_ =	shalt  }
0x4e: {  	_ =	shalt  }
0x4f: {  	_ =	shalt  }
0x50: {  	_ =	shalt  }
0x51: {  	_ =	shalt  }
0x52: {  	_ =	shalt  }
0x53: {  	_ =	shalt  }
0x54: {  	_ =	shalt  }
0x55: {  	_ =	shalt  }
0x56: {  	_ =	shalt  }
0x57: {  	_ =	shalt  }
0x58: {  	_ =	shalt  }
0x59: {  	_ =	shalt  }
0x5a: {  	_ =	shalt  }
0x5b: {  	_ =	shalt  }
0x5c: {  	_ =	shalt  }
0x5d: {  	_ =	shalt  }
0x5e: {  	_ =	shalt  }
0x5f: {  	_ =	shalt  }
0x60: {  	_ =	shalt  }
0x61: {  	_ =	shalt  }
0x62: {  	_ =	shalt  }
0x63: {  	_ =	shalt  }
0x64: {  	_ =	shalt  }
0x65: {  	_ =	shalt  }
0x66: {  	_ =	shalt  }
0x67: {  	_ =	shalt  }
0x68: {  	_ =	shalt  }
0x69: {  	_ =	shalt  }
0x6a: {  	_ =	shalt  }
0x6b: {  	_ =	shalt  }
0x6c: {  	_ =	shalt  }
0x6d: {  	_ =	shalt  }
0x6e: {  	_ =	shalt  }
0x6f: {  	_ =	shalt  }
0x70: {  	_ =	shalt  }
0x71: {  	_ =	shalt  }
0x72: {  	_ =	shalt  }
0x73: {  	_ =	shalt  }
0x74: {  	_ =	shalt  }
0x75: {  	_ =	shalt  }
0x76: {  	_ =	shalt  }
0x77: {  	_ =	shalt  }
0x78: {  	_ =	shalt  }
0x79: {  	_ =	shalt  }
0x7a: {  	_ =	shalt  }
0x7b: {  	_ =	shalt  }
0x7c: {  	_ =	shalt  }
0x7d: {  	_ =	shalt  }
0x7e: {  	_ =	shalt  }
0x7f: {  	_ =	shalt  }
0x80: {  	_ =	shalt  }
0x81: {  	_ =	shalt  }
0x82: {  	_ =	shalt  }
0x83: {  	_ =	shalt  }
0x84: {  	_ =	shalt  }
0x85: {  	_ =	shalt  }
0x86: {  	_ =	shalt  }
0x87: {  	_ =	shalt  }
.Lfunc_end0:
.L_simem_size_0:
called_computation.1_lowered:
.L_overlay_start_0:
0x88: {  	s2 =	sld [smem:$0x3FD9]  }
0x89: {  	s3 =	sld [smem:$0x3FFE];
	_ =	sdelay $0x1  }
0x8a: {  	s1 =	srdreg.scid  }
0x8b: {  	s0 =	sand.u32 $0x1, s1  }
0x8c: {  	s14 =	sshll.u32 s0, $0xA;
	s2 =	sadd.s32 s3, s2  }
0x8d: {  	s2 =	sadd.s32 s2, s14  }
0x8e: {  	[smem:$0x3FBA] =	sst s2  }
0x8f: {  	_ = 	snop  }
0x90: {  	s2 =	sld [smem:$0x3FD0];
	_ =	sdelay $0x2  }
0x91: {  	s15 =	simm.s32 $0xB;
	s4 =	simm.s32 $0x10  }
0x92: {  	[smem:s4], [sflag:s15] =	dma.local [hbm:s2], $0x1  }
0x93: {  	_ =	swait.eq [sflag:s15], $0x1  }
0x94: {  	[sflag:s15] =	ssyncset.done $0x0  }
0x95: {  	[sflag:s15] =	ssyncadd.s32 $0xFFFFFFFF  }
0x96: {  	s16 =	sld [smem:$0x10];
	(tm) =	ssettm $0x1  }
0x97: {  	s17 =	sld [smem:$0x3FFB];
	_ =	sdelay $0x3  }
0x98: {  	_ =	strace s17  }
0x99: {  	s3 =	sld [smem:$0x3FFC];
	_ =	sdelay $0x3  }
0x9a: {  	_ =	strace s3  }
0x9b: {  	s3 =	sld [smem:$0x3FFD];
	_ =	sdelay $0x3  }
0x9c: {  	_ =	strace s3  }
0x9d: {  	_ =	strace $0x8FFFFFFF  }
0x9e: {  	s18 =	sld [smem:$0x3FDB];
	_ =	sdelay $0x1  }
0x9f: {  	s19 =	simm.s32 $_scs_section_size  }
0xa0: {  	s5 =	simm.s32 $_size__tile_overlayer_lowered;
	s6 =	simm.s32 $_tile_overlayer_lowered  }
0xa1: {  	s22 =	simm.s32 $0x1BFF;
	s21 =	sshll.u32 s6, $0x1;
	s3 =	sadd.s32 s19, s18  }
0xa2: {  	s7 =	simm.s32 $0x0;
	s20 =	sshll.u32 s5, $0x1;
	s5 =	sadd.s32 s21, s3  }
0xa3: {  	[timem:s7], [sflag:s22] =	dma.local [hbm:s5], s20  }
0xa4: {  	_ =	swait.ge [sflag:s22], s20  }
0xa5: {  	s4 =	ssub.s32 $0x0, s20;
	[sflag:s22] =	ssyncset.done $0x0  }
0xa6: {  	[sflag:s22] =	ssyncadd.s32 s4;
	_ =	sdelay $0x1  }
0xa7: {  	s23 =	simm.s32 $0x1B8B  }
0xa8: {  	_ =	swait.ge [sflag:s23], $0x1  }
0xa9: {  	[sflag:s23] =	ssyncset.done $0x0  }
0xaa: {  	s25 =	simm.s32 $0x1B8E;
	s24 =	sld [smem:$0x3FFE];
	[sflag:s23] =	ssyncadd.s32 $0xFFFFFFFF  }
0xab: {  	s26 =	simm.s32 $execute0_lowered;
	[smem:$0x3FD2] =	sst s25  }
0xac: {  	s5 =	sshll.u32 s26, $0x1;
	_ =	strace $0x80000046;
	[dreg:$0x1] =	wrdreg $0xFFFFFFFF  }
0xad: {  	s28 =	simm.s32 $_size_execute0_lowered;
	s3 =	sadd.s32 s3, s5;
	[dreg:$0x0] =	wrdreg $0x0  }
0xae: {  	s5 =	sshll.u32 s28, $0x1;
	[dreg:$0x2] =	wrdreg s3  }
0xaf: {  	[dreg:$0x3] =	wrdreg s5  }
0xb0: {  	[dreg:$0x4] =	wrdreg $0xC0  }
0xb1: {  	_ =	task [dreg:s7], $0x5FFFF  }
0xb2: {  	[dreg:$0x1] =	wrdreg $0xFFFFFFFF  }
0xb3: {  	[dreg:$0x0] =	wrdreg $0x60  }
0xb4: {  	[dreg:$0x2] =	wrdreg s16  }
0xb5: {  	[dreg:$0x3] =	wrdreg s24  }
0xb6: {  	[dreg:$0x4] =	wrdreg $0x40800  }
0xb7: {  	[dreg:$0x5] =	wrdreg $0xA  }
0xb8: {  	_ =	task.clear_ibuf [dreg:s7], $0x6FFFF;
	_ =	strace $0x90000046  }
0xb9: {  	s29 =	simm.s32 $0xA;
	_ =	strace $0x80000048  }
0xba: {  	_ =	swait.ge [sflag:s29], $0x1  }
0xbb: {  	[sflag:s29] =	ssyncadd.s32 $0xFFFFFFFF  }
0xbc: {  	_ =	strace $0x90000048  }
0xbd: {  	_ =	sfence  }
0xbe: {  	s30 =	sld [smem:$0x0];
	_ =	sdelay $0x2  }
0xbf: {  	s31 =	sshll.u32 s1, $0xD;
	s1 =	sshrl.u32 s1, $0x2  }
0xc0: {  	s3 =	sand.u32 $0x4000, s31;
	s1 =	sadd.s32 s1, s30  }
0xc1: {  	s0 =	sor.u32 s3, s0;
	s1 =	sshll.u32 s1, $0x11  }
0xc2: {  	s0 =	sor.u32 s1, s0  }
0xc3: {  	s0 =	sadd.s32 $0x8F2B, s0  }
0xc4: {  	[sflag:s0] =	ssyncadd.remote.s32 $0x1  }
0xc5: {  	_ =	sfence.sel $0xFFFF  }
0xc6: {  	[dreg:$0x0] =	wrdreg $0xFFFFFFFF;
	(pc) =	sbr.abs _section_cstart, $3  }
0xc7: {  	[dreg:$0x1] =	wrdreg $0xFFFFFFFF  }
0xc8: {  	_ =	task.clear_ibuf [dreg:s7], $0x2FFFF;
	_ =	strace $0x9FFFFFFF  }
0xc9: {  	(tm) =	ssettm $0x7FFFFFFF  }
tec
execute0_lowered:
.L_overlay_start_1:
0x0: {  	(tag) =	ssettag $0x1  }
0x1: {  	s4 =	rddreg [dreg:$0x0]  }
0x2: {  	s11 =	rddreg [dreg:$0x1]  }
0x3: {  	s2 =	rddreg [dreg:$0x2]  }
0x4: {  	s0 =	rddreg [dreg:$0x3];
	s3 =	simm.s32 $0x0;
	s5 =	srdreg.scid  }
0x5: {  	s1 =	stileid.u32;
	[smem:$0x7FF] =	sst s3  }
0x6: {  	s9 =	sand.u32 $0x1, s5;
	s8 =	sshll.u32 s1, $0x8;
	s29 =	sshll.u32 s1, $0x10  }
0x7: {  	s6 =	sshll.u32 s1, $0xD;
	s30 =	sshll.u32 s1, $0x6;
	_ =	strace $0x80000047  }
0x8: {  	s10 =	sshll.u32 s9, $0x7;
	s7 =	sadd.s32 s29, s2;
	s4 =	sadd.s32 s4, s6  }
0x9: {  	s5 =	sor.u32 $0x1C02, s30;
	s6 =	simm.s32 $0x2;
	s7 =	sshrl.u32 s7, $0x3  }
0xa: {  	[spmem:s7], [sflag:s5] =	dma.local [hbm:s4], $0x2000  }
0xb: {  	s12 =	sor.u32 s10, s8;
	_ =	swait.ge [sflag:s6], $0x2000  }
0xc: {  	s8 =	sshrl.u32 s12, $0x3;
	[sflag:s6] =	ssyncset.done $0x0  }
0xd: {  	s13 =	ssub.s32 $0x2, s9;
	s8 =	sadd.s32 s8, s11;
	[sflag:s6] =	ssyncadd.s32 $0xFFFFE000  }
0xe: {  	s9 =	simm.s32 $0x80;
	s8 =	sadd.s32 $0x3600, s8;
	[bflag:$0x0] =	sbarrier.arrive $0xFFFF  }
0xf: {  	[tilespmem:s3], [sflag:$0x2] =	stream.linear.gather [hbm4b:s8+s3], $0x80, $0x38;
	[tilespmem:$0x14080] =	vst v63  }
0x10: {  	s10 =	simm.s32 $0x1;
	s14 =	sshrl.u32 s13, $0x1;
	_ =	swait.ge [sflag:s6], $0x80  }
0x11: {  	s12 =	sshll.u32 s12, $0x4;
	s31 =	ssub.s32 s13, s14;
	[sflag:s6] =	ssyncset.done $0x0  }
0x12: {  	s11 =	sadd.s32 s12, s11;
	s12 =	smax.u32 s31, $0x1;
	[sflag:s6] =	ssyncadd.s32 $0xFFFFFF80  }
0x13: {  	[tilespmem:s9], [sflag:$0x1] =	stream.indirect.gather [spmem:s2], $0x80, s3, s9, $0xb8;
	[tilespmem:$0x14080] =	vst v63  }
0x14: {  	p0 =	sne.s32 s12, $0x1;
	_ =	swait.ge [sflag:s10], $0x4000  }
.Ltmp0:
0x15: {  	[sflag:s10] =	ssyncset.done $0x0;
	(pc) =	sbr.rel @!p0 .LBB2_2-.Ltmp0, $4  }
0x16: {  	s11 =	sadd.s32 $0x3800, s11;
	[sflag:s10] =	ssyncadd.s32 $0xFFFFC000  }
0x17: {  	[hbm4b:s11+s3] =	stream.linear.scatter [tilespmem:s9], [sflag:$0x2], $0x4000, $0x38;
	[tilespmem:$0x14080] =	vst v63  }
0x18: {  	_ =	swait.ge [sflag:s6], $0x4000  }
0x19: {  	s12 =	sadd.s32 $0xFFFFFFFF, s12;
	[sflag:s6] =	ssyncset.done $0x0  }
.LBB2_1:
0x1a: {  	p0 =	sne.s32 s12, $0x1;
	s12 =	sadd.s32 $0xFFFFFFFF, s12;
	[sflag:s6] =	ssyncadd.s32 $0xFFFFC000  }
0x1b: {  	[spmem:s7], [sflag:s5] =	dma.local [hbm:s4], $0x2000  }
0x1c: {  	_ =	swait.ge [sflag:s6], $0x2000  }
0x1d: {  	[sflag:s6] =	ssyncset.done $0x0  }
0x1e: {  	[sflag:s6] =	ssyncadd.s32 $0xFFFFE000  }
0x1f: {  	[bflag:$0x0] =	sbarrier.arrive $0xFFFF  }
0x20: {  	[tilespmem:s3], [sflag:$0x2] =	stream.linear.gather [hbm4b:s8+s3], $0x80, $0x38;
	[tilespmem:$0x14080] =	vst v63  }
0x21: {  	_ =	swait.ge [sflag:s6], $0x80  }
0x22: {  	[sflag:s6] =	ssyncset.done $0x0  }
0x23: {  	[sflag:s6] =	ssyncadd.s32 $0xFFFFFF80  }
0x24: {  	[tilespmem:s9], [sflag:$0x1] =	stream.indirect.gather [spmem:s2], $0x80, s3, s9, $0xb8;
	[tilespmem:$0x14080] =	vst v63  }
0x25: {  	_ =	swait.ge [sflag:s10], $0x4000  }
.Ltmp1:
0x26: {  	[sflag:s10] =	ssyncset.done $0x0;
	(pc) =	sbr.rel @p0 .LBB2_1-.Ltmp1, $4  }
0x27: {  	[sflag:s10] =	ssyncadd.s32 $0xFFFFC000  }
0x28: {  	[hbm4b:s11+s3] =	stream.linear.scatter [tilespmem:s9], [sflag:$0x2], $0x4000, $0x38;
	[tilespmem:$0x14080] =	vst v63  }
0x29: {  	_ =	swait.ge [sflag:s6], $0x4000  }
0x2a: {  	[sflag:s6] =	ssyncset.done $0x0  }
.LBB2_2:
0x2b: {  	[sflag:s6] =	ssyncadd.s32 $0xFFFFC000  }
0x2c: {  	_ =	sfence.sel $0x180000  }
0x2d: {  	[bflag:$0x0] =	sbarrier.arrive $0xFFFF  }
0x2e: {  	p0 =	sne.s32 s1, $0x0;
	_ =	strace $0x90000047  }
0x2f: {  	s0 =	sadd.s32 @!p0 $0x100000, s0;
	[bflag:$0x2] =	sbarrier.arrive $0xFFFF  }
0x30: {  	[sflag:s0] =	ssyncadd.tile.s32 @!p0 $0x1;
	_ =	shalt  }
.Lfunc_end2:
_tile_overlayer_lowered:
.L_overlay_start_2:
0x31: {  	(tag) =	ssettag $0x2  }
0x32: {  	s0 =	rddreg [dreg:$0x0];
	s2 =	stileid.u32  }
0x33: {  	s1 =	rddreg [dreg:$0x1];
	p0 =	sne.s32 s2, $0x0  }
0x34: {  	s3 =	rddreg [dreg:$0x2];
	[bflag:$0x3] =	sbarrier.arrive $0xFFFF;
	s2 =	simm.s32 @!p0 $0x1C02  }
0x35: {  	[timem:s3], [sflag:s2] =	dma.local @!p0 [hbm:s0], s1  }
0x36: {  	s0 =	simm.s32 @!p0 $0x2  }
0x37: {  	_ =	swait.ge @!p0 [sflag:s0], s1  }
0x38: {  	s1 =	ssub.s32 @!p0 $0x0, s1;
	[sflag:s0] =	ssyncset.done @!p0 $0x0  }
0x39: {  	[sflag:s0] =	ssyncadd.s32 @!p0 s1  }
0x3a: {  	[bflag:$0x3] =	sbarrier.arrive $0xFFFF  }
0x3b: {  	_ =	shalt  }

// kernel: kernel.8.cloned.1.call-start
scs
__scs_entry_jumppad:
0x0: {  	(pc) =	sbr.rel $0x88, $3  }
0x1: {  	(tag) =	ssettag $0x0;
	lr =	simm.s32 $0x1  }
0x2: {  	[smem:$0x3F93] =	sst lr;
	_ =	strace $0xD0000000  }
0x3: {  	_ = 	snop  }
0x4: {  	_ = 	snop  }
0x5: {  	_ = 	snop  }
0x6: {  	_ = 	snop  }
0x7: {  	_ = 	snop  }
__scs_overlays_trampoline_lowered:
0x8: {  	[smem:$0x3FA2] =	sst s0  }
0x9: {  	[smem:$0x3FA3] =	sst s1  }
0xa: {  	[smem:$0x3FA4] =	sst s2  }
0xb: {  	[smem:$0x3FA5] =	sst s3  }
0xc: {  	[smem:$0x3FA6] =	sst s4  }
0xd: {  	[smem:$0x3FA7] =	sst s5  }
0xe: {  	[smem:$0x3FA8] =	sst s6  }
0xf: {  	[smem:$0x3FA9] =	sst s7  }
0x10: {  	[smem:$0x3FAA] =	sst s8  }
0x11: {  	[smem:$0x3FAB] =	sst s9;
	s0 =	simm.s32 @!p0 $0x0  }
0x12: {  	s1 =	sld [smem:$0x3F91];
	s0 =	simm.s32 @p0 $0x1  }
0x13: {  	[smem:$0x3FAC] =	sst s0;
	s0 =	simm.s32 @!p1 $0x0  }
0x14: {  	s2 =	sld [smem:$0x3F90];
	s0 =	simm.s32 @p1 $0x1  }
0x15: {  	[smem:$0x3FAD] =	sst s0;
	s0 =	simm.s32 @!p2 $0x0  }
0x16: {  	s3 =	sld [smem:$0x3FDB];
	s0 =	simm.s32 @p2 $0x1  }
0x17: {  	s4 =	simm.s32 $0x1BF5;
	[smem:$0x3FAF] =	sst s0  }
0x18: {  	s0 =	sld [smem:$0x3F92];
	_ =	swait.ge [sflag:s4], $0x0  }
0x19: {  	s7 =	sld [smem:$0x3F93]  }
0x1a: {  	s8 =	sadd.s32 $0xFFFFE003, lr  }
0x1b: {  	s9 =	sadd.s32 $0xFFFFFEF7, lr;
	s5 =	simm.s32 $0xFFFFFFFF;
	p2 =	slt.u32 s8, $0xFFFFF086  }
0x1c: {  	p1 =	slt.u32 s9, $0xF7A;
	s5 =	simm.s32 @!p2 $0x0  }
0x1d: {  	s5 =	simm.s32 @p1 $0x1;
	p0 =	seq.s32 s7, s2  }
0x1e: {  	s7 =	smul.u32 @!p0 $0xF7A, s2;
	p2 =	seq.s32 @!p0 s5, $0x0  }
0x1f: {  	s9 =	smul.u32 $0xF7A, s1;
	s8 =	simm.s32 @!p0 $0x1BF5;
	p2 =	por !p2, p0  }
0x20: {  	[sflag:s8] =	ssyncset.s32 @!p0 $0xFFFFF086;
	s6 =	sadd.s32 @!p0 s3, s7;
	s7 =	simm.s32 @!p0 $0x108  }
0x21: {  	s3 =	sadd.s32 s3, s9;
	s6 =	sadd.s32 @!p0 $0x88, s6;
	s7 =	simm.s32 @p2 $0x1082  }
0x22: {  	[simem:s7], [sflag:s8] =	dma.local @!p0 [hbm:s6], $0xF7A  }
0x23: {  	s9 =	sor.u32 $0xD0000000, s2;
	s6 =	simm.s32 $0x108;
	_ =	swait.ge @!p0 [sflag:s8], $0x0  }
0x24: {  	s3 =	sadd.s32 $0x88, s3;
	s6 =	simm.s32 @!p1 $0x1082;
	[sflag:s4] =	ssyncset.s32 $0xFFFFF086  }
0x25: {  	[simem:s6], [sflag:s4] =	dma.local [hbm:s3], $0xF7A  }
0x26: {  	[smem:$0x3F93] =	sst s1;
	(tag) =	ssettag s2;
	_ =	strace s9  }
0x27: {  	s1 =	sld [smem:$0x3FA3]  }
0x28: {  	s2 =	sld [smem:$0x3FA4]  }
0x29: {  	s4 =	sld [smem:$0x3FA6]  }
0x2a: {  	p0 =	seq.s32 s5, $0x0;
	s5 =	sld [smem:$0x3FA7]  }
0x2b: {  	s6 =	sld [smem:$0x3FA8]  }
0x2c: {  	s7 =	sld [smem:$0x3FA9]  }
0x2d: {  	s3 =	simm.s32 $0x108;
	s8 =	sld [smem:$0x3FAA]  }
0x2e: {  	s3 =	simm.s32 @!p0 $0x1082;
	s9 =	sld [smem:$0x3FAB]  }
0x2f: {  	lr =	sadd.s32 s0, s3;
	s0 =	sld [smem:$0x3FA2]  }
0x30: {  	s3 =	sld [smem:$0x3FA5]  }
0x31: {  	[smem:$0x3FAE] =	sst s10  }
0x32: {  	s10 =	sld [smem:$0x3FAC];
	_ =	sdelay $0x3  }
0x33: {  	p0 =	seq.s32 s10, $0x1;
	s10 =	sld [smem:$0x3FAE];
	_ =	sdelay $0x3  }
0x34: {  	[smem:$0x3FAE] =	sst s10  }
0x35: {  	s10 =	sld [smem:$0x3FAD];
	_ =	sdelay $0x3  }
0x36: {  	p1 =	seq.s32 s10, $0x1;
	s10 =	sld [smem:$0x3FAE];
	_ =	sdelay $0x3  }
0x37: {  	[smem:$0x3FAE] =	sst s10  }
0x38: {  	s10 =	sld [smem:$0x3FAF]  }
0x39: {  	_ = 	snop;
	(pc) =	sbr.ind lr, $3  }
0x3a: {  	_ = 	snop  }
0x3b: {  	_ = 	snop  }
0x3c: {  	p2 =	seq.s32 s10, $0x1;
	s10 =	sld [smem:$0x3FAE]  }
0x3d: {  	_ =	shalt  }
0x3e: {  	_ =	shalt  }
0x3f: {  	_ =	shalt  }
0x40: {  	_ =	shalt  }
0x41: {  	_ =	shalt  }
0x42: {  	_ =	shalt  }
0x43: {  	_ =	shalt  }
0x44: {  	_ =	shalt  }
0x45: {  	_ =	shalt  }
0x46: {  	_ =	shalt  }
0x47: {  	_ =	shalt  }
0x48: {  	_ =	shalt  }
0x49: {  	_ =	shalt  }
0x4a: {  	_ =	shalt  }
0x4b: {  	_ =	shalt  }
0x4c: {  	_ =	shalt  }
0x4d: {  	_ =	shalt  }
0x4e: {  	_ =	shalt  }
0x4f: {  	_ =	shalt  }
0x50: {  	_ =	shalt  }
0x51: {  	_ =	shalt  }
0x52: {  	_ =	shalt  }
0x53: {  	_ =	shalt  }
0x54: {  	_ =	shalt  }
0x55: {  	_ =	shalt  }
0x56: {  	_ =	shalt  }
0x57: {  	_ =	shalt  }
0x58: {  	_ =	shalt  }
0x59: {  	_ =	shalt  }
0x5a: {  	_ =	shalt  }
0x5b: {  	_ =	shalt  }
0x5c: {  	_ =	shalt  }
0x5d: {  	_ =	shalt  }
0x5e: {  	_ =	shalt  }
0x5f: {  	_ =	shalt  }
0x60: {  	_ =	shalt  }
0x61: {  	_ =	shalt  }
0x62: {  	_ =	shalt  }
0x63: {  	_ =	shalt  }
0x64: {  	_ =	shalt  }
0x65: {  	_ =	shalt  }
0x66: {  	_ =	shalt  }
0x67: {  	_ =	shalt  }
0x68: {  	_ =	shalt  }
0x69: {  	_ =	shalt  }
0x6a: {  	_ =	shalt  }
0x6b: {  	_ =	shalt  }
0x6c: {  	_ =	shalt  }
0x6d: {  	_ =	shalt  }
0x6e: {  	_ =	shalt  }
0x6f: {  	_ =	shalt  }
0x70: {  	_ =	shalt  }
0x71: {  	_ =	shalt  }
0x72: {  	_ =	shalt  }
0x73: {  	_ =	shalt  }
0x74: {  	_ =	shalt  }
0x75: {  	_ =	shalt  }
0x76: {  	_ =	shalt  }
0x77: {  	_ =	shalt  }
0x78: {  	_ =	shalt  }
0x79: {  	_ =	shalt  }
0x7a: {  	_ =	shalt  }
0x7b: {  	_ =	shalt  }
0x7c: {  	_ =	shalt  }
0x7d: {  	_ =	shalt  }
0x7e: {  	_ =	shalt  }
0x7f: {  	_ =	shalt  }
0x80: {  	_ =	shalt  }
0x81: {  	_ =	shalt  }
0x82: {  	_ =	shalt  }
0x83: {  	_ =	shalt  }
0x84: {  	_ =	shalt  }
0x85: {  	_ =	shalt  }
0x86: {  	_ =	shalt  }
0x87: {  	_ =	shalt  }
.Lfunc_end0:
.L_simem_size_0:
called_computation_lowered:
.L_overlay_start_0:
0x88: {  	s2 =	sld [smem:$0x3FD9]  }
0x89: {  	s3 =	sld [smem:$0x3FFE];
	_ =	sdelay $0x1  }
0x8a: {  	s1 =	srdreg.scid  }
0x8b: {  	s0 =	sand.u32 $0x1, s1  }
0x8c: {  	s15 =	sshll.u32 s0, $0xA;
	s2 =	sadd.s32 s3, s2  }
0x8d: {  	s2 =	sadd.s32 s2, s15  }
0x8e: {  	[smem:$0x3FBA] =	sst s2  }
0x8f: {  	_ = 	snop  }
0x90: {  	s2 =	sld [smem:$0x3FD0];
	_ =	sdelay $0x2  }
0x91: {  	s16 =	simm.s32 $0xB;
	s4 =	simm.s32 $0x10  }
0x92: {  	[smem:s4], [sflag:s16] =	dma.local [hbm:s2], $0x1  }
0x93: {  	_ =	swait.eq [sflag:s16], $0x1  }
0x94: {  	[sflag:s16] =	ssyncset.done $0x0  }
0x95: {  	[sflag:s16] =	ssyncadd.s32 $0xFFFFFFFF  }
0x96: {  	s17 =	sld [smem:$0x10];
	(tm) =	ssettm $0x1  }
0x97: {  	s18 =	sld [smem:$0x3FFB];
	_ =	sdelay $0x3  }
0x98: {  	_ =	strace s18  }
0x99: {  	s2 =	sld [smem:$0x3FFC];
	_ =	sdelay $0x3  }
0x9a: {  	_ =	strace s2  }
0x9b: {  	s2 =	sld [smem:$0x3FFD];
	_ =	sdelay $0x3  }
0x9c: {  	_ =	strace s2  }
0x9d: {  	_ =	strace $0x8FFFFFFF  }
0x9e: {  	s19 =	sld [smem:$0x3FDB];
	_ =	sdelay $0x1  }
0x9f: {  	s20 =	simm.s32 $_scs_section_size  }
0xa0: {  	s5 =	simm.s32 $_size__tile_overlayer_lowered;
	s6 =	simm.s32 $_tile_overlayer_lowered  }
0xa1: {  	s7 =	simm.s32 $0x1BFF;
	s21 =	sshll.u32 s6, $0x1;
	s4 =	sadd.s32 s20, s19  }
0xa2: {  	s22 =	simm.s32 $0x0;
	s5 =	sshll.u32 s5, $0x1;
	s6 =	sadd.s32 s21, s4  }
0xa3: {  	[timem:s22], [sflag:s7] =	dma.local [hbm:s6], s5  }
0xa4: {  	_ =	swait.ge [sflag:s7], s5  }
0xa5: {  	s5 =	ssub.s32 $0x0, s5;
	[sflag:s7] =	ssyncset.done $0x0  }
0xa6: {  	[sflag:s7] =	ssyncadd.s32 s5;
	_ =	sdelay $0x1  }
0xa7: {  	s23 =	simm.s32 $0x1B8B  }
0xa8: {  	_ =	swait.ge [sflag:s23], $0x1  }
0xa9: {  	[sflag:s23] =	ssyncset.done $0x0  }
0xaa: {  	[sflag:s23] =	ssyncadd.s32 $0xFFFFFFFF  }
0xab: {  	s5 =	sld [smem:$0x0]  }
0xac: {  	s6 =	sand.u32 $0xFFFFFFFE, s1  }
0xad: {  	p0 =	sne.s32 s1, s6  }
0xae: {  	s6 =	sshll.u32 @p0 s6, $0xE  }
0xaf: {  	s6 =	sadd.s32 @p0 $0x11B8D, s6;
	s7 =	sshll.u32 @p0 s5, $0x11  }
0xb0: {  	s6 =	sor.u32 @p0 s7, s6  }
0xb1: {  	[sflag:s6] =	ssyncadd.remote.s32 @p0 $0x1;
	_ =	sdelay $0x1  }
0xb2: {  	s6 =	simm.s32 @p0 $0x1B8D  }
0xb3: {  	_ =	swait.eq @p0 [sflag:s6], $0x1  }
0xb4: {  	[sflag:s6] =	ssyncadd.s32 @p0 $0xFFFFFFFF  }
0xb5: {  	s7 =	sshll.u32 @!p0 s1, $0xE  }
0xb6: {  	s7 =	sor.u32 @!p0 $0x4000, s7;
	s6 =	simm.s32 @!p0 $0x1B8D  }
0xb7: {  	s5 =	sshll.u32 @!p0 s5, $0x11;
	s7 =	sadd.s32 @!p0 $0x11B8D, s7;
	_ =	swait.eq @!p0 [sflag:s6], $0x1  }
0xb8: {  	s5 =	sor.u32 @!p0 s5, s7;
	[sflag:s6] =	ssyncadd.s32 @!p0 $0xFFFFFFFF  }
0xb9: {  	s25 =	simm.s32 $0x1B8E;
	s24 =	sld [smem:$0x3FFE];
	[sflag:s5] =	ssyncadd.remote.s32 @!p0 $0x1  }
0xba: {  	s26 =	simm.s32 $execute0_lowered;
	[smem:$0x3FD2] =	sst s25  }
0xbb: {  	s6 =	sshll.u32 s26, $0x1;
	_ =	strace $0x80000049;
	[dreg:$0x1] =	wrdreg $0xFFFFFFFF  }
0xbc: {  	s28 =	simm.s32 $_size_execute0_lowered;
	s4 =	sadd.s32 s4, s6;
	[dreg:$0x0] =	wrdreg $0x0  }
0xbd: {  	s6 =	sshll.u32 s28, $0x1;
	[dreg:$0x2] =	wrdreg s4  }
0xbe: {  	[dreg:$0x3] =	wrdreg s6  }
0xbf: {  	[dreg:$0x4] =	wrdreg $0xC0  }
0xc0: {  	_ =	task [dreg:s22], $0x5FFFF  }
0xc1: {  	[dreg:$0x1] =	wrdreg $0xFFFFFFFF  }
0xc2: {  	[dreg:$0x0] =	wrdreg $0x60  }
0xc3: {  	[dreg:$0x2] =	wrdreg s17  }
0xc4: {  	[dreg:$0x3] =	wrdreg s24  }
0xc5: {  	[dreg:$0x4] =	wrdreg $0x40800  }
0xc6: {  	[dreg:$0x5] =	wrdreg $0x9  }
0xc7: {  	_ =	task.clear_ibuf [dreg:s22], $0x6FFFF;
	_ =	strace $0x90000049  }
0xc8: {  	s29 =	simm.s32 $0x9;
	_ =	strace $0x8000004B  }
0xc9: {  	_ =	swait.ge [sflag:s29], $0x1  }
0xca: {  	[sflag:s29] =	ssyncadd.s32 $0xFFFFFFFF  }
0xcb: {  	_ =	strace $0x9000004B  }
0xcc: {  	_ =	sfence  }
0xcd: {  	s30 =	sld [smem:$0x0];
	_ =	sdelay $0x2  }
0xce: {  	s31 =	sshll.u32 s1, $0xD;
	s1 =	sshrl.u32 s1, $0x2  }
0xcf: {  	s4 =	sand.u32 $0x4000, s31;
	s1 =	sadd.s32 s1, s30  }
0xd0: {  	s0 =	sor.u32 s4, s0;
	s1 =	sshll.u32 s1, $0x11  }
0xd1: {  	s0 =	sor.u32 s1, s0  }
0xd2: {  	s0 =	sadd.s32 $0x8F2B, s0  }
0xd3: {  	[sflag:s0] =	ssyncadd.remote.s32 $0x1  }
0xd4: {  	_ =	sfence.sel $0xFFFF  }
0xd5: {  	[dreg:$0x0] =	wrdreg $0xFFFFFFFF;
	(pc) =	sbr.abs _section_cstart, $3  }
0xd6: {  	[dreg:$0x1] =	wrdreg $0xFFFFFFFF  }
0xd7: {  	_ =	task.clear_ibuf [dreg:s22], $0x2FFFF;
	_ =	strace $0x9FFFFFFF  }
0xd8: {  	(tm) =	ssettm $0x7FFFFFFF  }
0xd9: {  	_ =	shalt  }
tec
execute0_lowered:
.L_overlay_start_1:
0x0: {  	(tag) =	ssettag $0x1  }
0x1: {  	s4 =	rddreg [dreg:$0x0]  }
0x2: {  	s11 =	rddreg [dreg:$0x1]  }
0x3: {  	s2 =	rddreg [dreg:$0x2]  }
0x4: {  	s0 =	rddreg [dreg:$0x3];
	s3 =	simm.s32 $0x0;
	s5 =	srdreg.scid  }
0x5: {  	s1 =	stileid.u32;
	[smem:$0x7FF] =	sst s3  }
0x6: {  	s9 =	sand.u32 $0x1, s5;
	s8 =	sshll.u32 s1, $0x8;
	s29 =	sshll.u32 s1, $0x10  }
0x7: {  	s6 =	sshll.u32 s1, $0xD;
	s30 =	sshll.u32 s1, $0x6;
	_ =	strace $0x8000004A  }
0x8: {  	s10 =	sshll.u32 s9, $0x7;
	s7 =	sadd.s32 s29, s2;
	s4 =	sadd.s32 s4, s6  }
0x9: {  	s5 =	sor.u32 $0x1C02, s30;
	s6 =	simm.s32 $0x2;
	s7 =	sshrl.u32 s7, $0x3  }
0xa: {  	[spmem:s7], [sflag:s5] =	dma.local [hbm:s4], $0x2000  }
0xb: {  	s12 =	sor.u32 s10, s8;
	_ =	swait.ge [sflag:s6], $0x2000  }
0xc: {  	s8 =	sshrl.u32 s12, $0x3;
	[sflag:s6] =	ssyncset.done $0x0  }
0xd: {  	s13 =	ssub.s32 $0x2, s9;
	s8 =	sadd.s32 s8, s11;
	[sflag:s6] =	ssyncadd.s32 $0xFFFFE000  }
0xe: {  	s9 =	simm.s32 $0x80;
	s8 =	sadd.s32 $0x13800, s8;
	[bflag:$0x0] =	sbarrier.arrive $0xFFFF  }
0xf: {  	[tilespmem:s3], [sflag:$0x2] =	stream.linear.gather [hbm4b:s8+s3], $0x80, $0x38;
	[tilespmem:$0x14080] =	vst v63  }
0x10: {  	s10 =	simm.s32 $0x1;
	s14 =	sshrl.u32 s13, $0x1;
	_ =	swait.ge [sflag:s6], $0x80  }
0x11: {  	s12 =	sshll.u32 s12, $0x4;
	s31 =	ssub.s32 s13, s14;
	[sflag:s6] =	ssyncset.done $0x0  }
0x12: {  	s11 =	sadd.s32 s12, s11;
	s12 =	smax.u32 s31, $0x1;
	[sflag:s6] =	ssyncadd.s32 $0xFFFFFF80  }
0x13: {  	[tilespmem:s9], [sflag:$0x1] =	stream.indirect.gather [spmem:s2], $0x80, s3, s9, $0xb8;
	[tilespmem:$0x14080] =	vst v63  }
0x14: {  	p0 =	sne.s32 s12, $0x1;
	_ =	swait.ge [sflag:s10], $0x4000  }
.Ltmp0:
0x15: {  	[sflag:s10] =	ssyncset.done $0x0;
	(pc) =	sbr.rel @!p0 .LBB2_2-.Ltmp0, $4  }
0x16: {  	s11 =	sadd.s32 $0x13A00, s11;
	[sflag:s10] =	ssyncadd.s32 $0xFFFFC000  }
0x17: {  	[hbm4b:s11+s3] =	stream.linear.scatter [tilespmem:s9], [sflag:$0x2], $0x4000, $0x38;
	[tilespmem:$0x14080] =	vst v63  }
0x18: {  	_ =	swait.ge [sflag:s6], $0x4000  }
0x19: {  	s12 =	sadd.s32 $0xFFFFFFFF, s12;
	[sflag:s6] =	ssyncset.done $0x0  }
.LBB2_1:
0x1a: {  	p0 =	sne.s32 s12, $0x1;
	s12 =	sadd.s32 $0xFFFFFFFF, s12;
	[sflag:s6] =	ssyncadd.s32 $0xFFFFC000  }
0x1b: {  	[spmem:s7], [sflag:s5] =	dma.local [hbm:s4], $0x2000  }
0x1c: {  	_ =	swait.ge [sflag:s6], $0x2000  }
0x1d: {  	[sflag:s6] =	ssyncset.done $0x0  }
0x1e: {  	[sflag:s6] =	ssyncadd.s32 $0xFFFFE000  }
0x1f: {  	[bflag:$0x0] =	sbarrier.arrive $0xFFFF  }
0x20: {  	[tilespmem:s3], [sflag:$0x2] =	stream.linear.gather [hbm4b:s8+s3], $0x80, $0x38;
	[tilespmem:$0x14080] =	vst v63  }
0x21: {  	_ =	swait.ge [sflag:s6], $0x80  }
0x22: {  	[sflag:s6] =	ssyncset.done $0x0  }
0x23: {  	[sflag:s6] =	ssyncadd.s32 $0xFFFFFF80  }
0x24: {  	[tilespmem:s9], [sflag:$0x1] =	stream.indirect.gather [spmem:s2], $0x80, s3, s9, $0xb8;
	[tilespmem:$0x14080] =	vst v63  }
0x25: {  	_ =	swait.ge [sflag:s10], $0x4000  }
.Ltmp1:
0x26: {  	[sflag:s10] =	ssyncset.done $0x0;
	(pc) =	sbr.rel @p0 .LBB2_1-.Ltmp1, $4  }
0x27: {  	[sflag:s10] =	ssyncadd.s32 $0xFFFFC000  }
0x28: {  	[hbm4b:s11+s3] =	stream.linear.scatter [tilespmem:s9], [sflag:$0x2], $0x4000, $0x38;
	[tilespmem:$0x14080] =	vst v63  }
0x29: {  	_ =	swait.ge [sflag:s6], $0x4000  }
0x2a: {  	[sflag:s6] =	ssyncset.done $0x0  }
.LBB2_2:
0x2b: {  	[sflag:s6] =	ssyncadd.s32 $0xFFFFC000  }
0x2c: {  	_ =	sfence.sel $0x180000  }
0x2d: {  	[bflag:$0x0] =	sbarrier.arrive $0xFFFF  }
0x2e: {  	p0 =	sne.s32 s1, $0x0;
	_ =	strace $0x9000004A  }
0x2f: {  	s0 =	sadd.s32 @!p0 $0x100000, s0;
	[bflag:$0x2] =	sbarrier.arrive $0xFFFF  }
0x30: {  	[sflag:s0] =	ssyncadd.tile.s32 @!p0 $0x1;
	_ =	shalt  }
.Lfunc_end2:
_tile_overlayer_lowered:
.L_overlay_start_2:
0x31: {  	(tag) =	ssettag $0x2  }
0x32: {  	s0 =	rddreg [dreg:$0x0];
	s2 =	stileid.u32  }
0x33: {  	s1 =	rddreg [dreg:$0x1];
	p0 =	sne.s32 s2, $0x0  }
0x34: {  	s3 =	rddreg [dreg:$0x2];
	[bflag:$0x3] =	sbarrier.arrive $0xFFFF;
	s2 =	simm.s32 @!p0 $0x1C02  }
0x35: {  	[timem:s3], [sflag:s2] =	dma.local @!p0 [hbm:s0], s1  }
0x36: {  	s0 =	simm.s32 @!p0 $0x2  }
0x37: {  	_ =	swait.ge @!p0 [sflag:s0], s1  }
0x38: {  	s1 =	ssub.s32 @!p0 $0x0, s1;
	[sflag:s0] =	ssyncset.done @!p0 $0x0  }
0x39: {  	[sflag:s0] =	ssyncadd.s32 @!p0 s1  }
0x3a: {  	[bflag:$0x3] =	sbarrier.arrive $0xFFFF  }
0x3b: {  	_ =	shalt  }

</sc_bundles>
